<compile_context>
chip_gen: v7x
topology: tpu7x:2x2x1
jax: 0.10.2.dev20260603
libtpu: 0.0.44.dev20260713+nightly
codegen_flags: <defaults>
</compile_context>

<pallas_src>
import functools
import numpy as np
import jax
import jax.numpy as jnp
from jax import lax
from jax.experimental import pallas as pl
from jax.experimental.pallas import tpu as pltpu
from jax.experimental.pallas import tpu_sc as plsc

HIDDEN = 128
N_TYPES = 16
SEQ = 144
NCAT = SEQ // 3
BATCH = 256
NC, NS = 2, 16
NW = NC * NS
B_PER_W = BATCH // NW
R_PER_W = B_PER_W * NCAT
G_CHUNK = 128
B_BLK = 64

_pos = np.arange(SEQ)
_types = (_pos % N_TYPES).astype(np.int32)
_is_cat = (_pos % 3 == 0)


def _sincos_pos(seq_len, d, max_len=10000.0):
    p = np.arange(seq_len, dtype=np.float64)[:, None]
    i = np.arange(d // 2, dtype=np.float64)
    ang = p / (max_len ** (2.0 * i / d))[None, :]
    emb = np.zeros((seq_len, d), np.float64)
    emb[:, 0::2] = np.sin(ang)
    emb[:, 1::2] = np.cos(ang)
    return emb.astype(np.float32)


_POS = _sincos_pos(SEQ + 2, HIDDEN)[:SEQ]

_S_T = np.zeros((SEQ, NCAT), np.float32)
_S_T[3 * np.arange(NCAT), np.arange(NCAT)] = 1.0

_T_NUM = np.zeros((SEQ, N_TYPES), np.float32)
_T_NUM[np.arange(SEQ), _types] = 1.0
_T_NUM[_is_cat, :] = 0.0



@functools.lru_cache(maxsize=1)
def _get_sc_gather():
    mesh = plsc.VectorSubcoreMesh(
        core_axis_name="c", subcore_axis_name="s", num_cores=NC, num_subcores=NS
    )

    @functools.partial(
        pl.kernel,
        out_type=jax.ShapeDtypeStruct((BATCH * NCAT, HIDDEN), jnp.float32),
        mesh=mesh,
        scratch_types=[
            pltpu.VMEM((R_PER_W,), jnp.int32),
            pltpu.VMEM((R_PER_W, HIDDEN), jnp.float32),
            pltpu.SemaphoreType.DMA,
            pltpu.SemaphoreType.DMA,
            pltpu.SemaphoreType.DMA,
        ],
    )
    def _sc_gather(gidx_hbm, emb_hbm, cat_hbm, idx_v, rows_v,
                   sem0, sem1, sem2):
        wid = lax.axis_index("s") * NC + lax.axis_index("c")
        r0 = wid * R_PER_W
        sems = (sem0, sem1, sem2)

        pltpu.sync_copy(gidx_hbm.at[pl.ds(r0, R_PER_W)], idx_v)
        copies = [
            pltpu.async_copy(
                emb_hbm.at[idx_v.at[pl.ds(g * G_CHUNK, G_CHUNK)]],
                rows_v.at[pl.ds(g * G_CHUNK, G_CHUNK)],
                sems[g],
            )
            for g in range(3)
        ]
        outs = []
        for g in range(3):
            copies[g].wait()
            outs.append(
                pltpu.async_copy(
                    rows_v.at[pl.ds(g * G_CHUNK, G_CHUNK)],
                    cat_hbm.at[pl.ds(r0 + g * G_CHUNK, G_CHUNK)],
                    sems[g],
                )
            )
        for o in outs:
            o.wait()

    return _sc_gather




def _tc_body(u1_ref, cat_ref, cw_ref, cb_ref, pos_ref, st_ref, tn_ref, out_ref):
    tn = tn_ref[...]
    w144 = jnp.dot(tn, cw_ref[...], preferred_element_type=jnp.float32)
    b144 = jnp.dot(tn, cb_ref[...], preferred_element_type=jnp.float32)
    b144 = b144 + pos_ref[...]
    st = st_ref[...]
    ut = u1_ref[...].T
    for b in range(B_BLK):
        cat = jnp.dot(
            st,
            cat_ref[pl.ds(b * NCAT, NCAT), :],
            preferred_element_type=jnp.float32,
        )
        out_ref[b] = cat + ut[:, b : b + 1] * w144 + b144


def kernel(u_in, conv_w, conv_b, emb_table):
    gidx = (
        u_in[:, 0::3, 2] * 128.0 + u_in[:, 0::3, 0] + 0.5
    ).astype(jnp.int32).reshape(BATCH * NCAT)
    catbuf = _get_sc_gather()(gidx, emb_table)
    u1 = u_in[:, :, 1]
    cw = conv_w.reshape(N_TYPES, HIDDEN)
    cb = conv_b.reshape(N_TYPES, HIDDEN)
    return pl.pallas_call(
        _tc_body,
        grid=(BATCH // B_BLK,),
        in_specs=[
            pl.BlockSpec((B_BLK, SEQ), lambda i: (i, 0)),
            pl.BlockSpec((B_BLK * NCAT, HIDDEN), lambda i: (i, 0)),
            pl.BlockSpec((N_TYPES, HIDDEN), lambda i: (0, 0)),
            pl.BlockSpec((N_TYPES, HIDDEN), lambda i: (0, 0)),
            pl.BlockSpec((SEQ, HIDDEN), lambda i: (0, 0)),
            pl.BlockSpec((SEQ, NCAT), lambda i: (0, 0)),
            pl.BlockSpec((SEQ, N_TYPES), lambda i: (0, 0)),
        ],
        out_specs=pl.BlockSpec((B_BLK, SEQ, HIDDEN), lambda i: (i, 0, 0)),
        out_shape=jax.ShapeDtypeStruct((BATCH, SEQ, HIDDEN), jnp.float32),
    )(
        u1, catbuf, cw, cb,
        jnp.asarray(_POS),
        jnp.asarray(_S_T),
        jnp.asarray(_T_NUM),
    )

# --- scband reference (transcript-rebuilt; emitter-appended) ---
"""Pipeline reference for scband-preset-embedding-60198261621408 (READ-ONLY COPY).

The authoritative reference and input builder live on the scoring server;
editing this copy changes nothing except your own understanding.
"""

import jax, jax.numpy as jnp
import numpy as np

HIDDEN = 128
N_PARAM_TYPES = 16
MAX_CAT_CLASSES = 128
SEQ_LEN = 144
BATCH = 256
C = HIDDEN * N_PARAM_TYPES

_pos = np.arange(SEQ_LEN)
NUM_ROWS = jnp.asarray(np.where(_pos % 3 != 0)[0], dtype=jnp.int32)
CAT_ROWS = jnp.asarray(np.where(_pos % 3 == 0)[0], dtype=jnp.int32)
PARAM_TYPES = jnp.asarray(_pos % N_PARAM_TYPES, dtype=jnp.int32)
TYPE_PER_NUM = PARAM_TYPES[NUM_ROWS]
N_NUM = int(NUM_ROWS.shape[0])


def _sincos_pos_embed(seq_len, d, max_len=10000.0):
    pos = jnp.arange(seq_len, dtype=jnp.float32)[:, None]
    i = jnp.arange(d // 2, dtype=jnp.float32)
    omega_inv = max_len ** (2.0 * i / d)
    ang = pos / omega_inv[None, :]
    emb = jnp.zeros((seq_len, d), dtype=jnp.float32)
    emb = emb.at[:, 0::2].set(jnp.sin(ang))
    emb = emb.at[:, 1::2].set(jnp.cos(ang))
    return emb

POS_EMBED_L = _sincos_pos_embed(SEQ_LEN + 2, HIDDEN)[:SEQ_LEN]


def setup_inputs(seed: int = 0):
    key = jax.random.key(seed)
    k1, k2, k3, k4, k5 = jax.random.split(key, 5)
    cat_vals = jax.random.randint(k1, (BATCH, SEQ_LEN), 0, MAX_CAT_CLASSES).astype(jnp.float32)
    num_vals = jax.random.uniform(k2, (BATCH, SEQ_LEN), dtype=jnp.float32)
    type_vals = jnp.broadcast_to(PARAM_TYPES.astype(jnp.float32)[None, :], (BATCH, SEQ_LEN))
    u_in = jnp.stack([cat_vals, num_vals, type_vals], axis=-1)
    conv_w = jax.random.normal(k3, (C,), dtype=jnp.float32) * 0.02
    conv_b = jax.random.normal(k4, (C,), dtype=jnp.float32) * 0.02
    emb_table = jax.random.normal(k5, (MAX_CAT_CLASSES * N_PARAM_TYPES, HIDDEN), dtype=jnp.float32) * 0.02
    return {"u_in": u_in, "conv_w": conv_w, "conv_b": conv_b, "emb_table": emb_table}


def reference(u_in, conv_w, conv_b, emb_table):
    N = u_in.shape[0]
    # categorical branch: embedding lookup with composed index
    u_cat = u_in[:, CAT_ROWS, :]
    cat_idx = jnp.round(u_cat[:, :, 2] * MAX_CAT_CLASSES + u_cat[:, :, 0]).astype(jnp.int32)
    cat_embeds = jnp.take(emb_table, cat_idx, axis=0)
    # numerical branch: Conv1d(1, C, kernel=1) == scalar * weight + bias per position
    u_num = u_in[:, NUM_ROWS, 1:2]  # [N, n_num, 1]
    unmasked = u_num * conv_w[None, None, :] + conv_b[None, None, :]  # [N, n_num, C]
    unmasked = unmasked.reshape(N, N_NUM, N_PARAM_TYPES, HIDDEN)
    # boolean mask selects the hidden-size slice of the position's type class
    num_embeds = unmasked[:, jnp.arange(N_NUM), TYPE_PER_NUM, :]  # [N, n_num, hidden]
    # scatter both branches into the output sequence
    embed_out = jnp.zeros((N, SEQ_LEN, HIDDEN), dtype=jnp.float32)
    embed_out = embed_out.at[:, CAT_ROWS, :].set(cat_embeds)
    embed_out = embed_out.at[:, NUM_ROWS, :].set(num_embeds)
    # pos_embed=True, start_token=False path
    return embed_out + POS_EMBED_L[None, :, :]

if __name__ == "__main__":
    import jax
    _d = setup_inputs()
    print(jax.jit(kernel)(*tuple(_d.values())))

</pallas_src>

<mosaic_0001>
#map = affine_map<(d0, d1) -> (0)>
#map1 = affine_map<(d0, d1) -> (0, 0)>
module attributes {stable_mosaic.version = 14 : i64} {
  func.func @_sc_gather(%arg0: i32, %arg1: i32, %arg2: memref<12288xi32, #tpu.memory_space<hbm>>, %arg3: memref<2048x128xf32, #tpu.memory_space<hbm>>, %arg4: memref<12288x128xf32, #tpu.memory_space<hbm>>, %arg5: memref<384xi32, #tpu.memory_space<vmem>>, %arg6: memref<384x128xf32, #tpu.memory_space<vmem>>, %arg7: memref<!tpu.dma_semaphore, #tpu.memory_space<semaphore_mem>>, %arg8: memref<!tpu.dma_semaphore, #tpu.memory_space<semaphore_mem>>, %arg9: memref<!tpu.dma_semaphore, #tpu.memory_space<semaphore_mem>>) attributes {dimension_semantics = [#tpu.dimension_semantics<core_parallel>, #tpu.dimension_semantics<subcore_parallel>], iteration_bounds = array<i64: 2, 16>, scalar_prefetch = 0 : i64, scratch_operands = 5 : i64, tpu.core_type = #tpu.core_type<sc_vector_subcore>, window_params = [{transform_indices = #map}, {transform_indices = #map1}, {transform_indices = #map1}]} {
    %mul3A = arith.constant 2 : i32
    %mul3A_0 = arith.muli %arg1, %mul3A : i32
    %add3A = arith.addi %mul3A_0, %arg0 : i32
    %mul3A_1 = arith.constant 384 : i32
    %mul3A_2 = arith.muli %add3A, %mul3A_1 : i32
    "tpu.region"() ({
      %run_scoped3A = tpu.sem_alloc : memref<!tpu.dma_semaphore, #tpu.memory_space<semaphore_mem>>
      %dma_start3A_115 = tpu.memref_slice %arg2[%mul3A_2] : memref<12288xi32, #tpu.memory_space<hbm>> -> memref<384xi32, #tpu.memory_space<hbm>>
      %dma_start3A_116 = tpu.memref_slice %arg2[%mul3A_2] : memref<12288xi32, #tpu.memory_space<hbm>> -> memref<384xi32, #tpu.memory_space<hbm>>
      tpu.enqueue_dma source(%dma_start3A_116 : memref<384xi32, #tpu.memory_space<hbm>>) target(%arg5 : memref<384xi32, #tpu.memory_space<vmem>>) target_semaphore(%run_scoped3A : memref<!tpu.dma_semaphore, #tpu.memory_space<semaphore_mem>>)
      %dma_wait3A_117 = tpu.memref_slice %arg2[%mul3A_2] : memref<12288xi32, #tpu.memory_space<hbm>> -> memref<384xi32, #tpu.memory_space<hbm>>
      %dma_wait3A_118 = tpu.memref_slice %arg2[%mul3A_2] : memref<12288xi32, #tpu.memory_space<hbm>> -> memref<384xi32, #tpu.memory_space<hbm>>
      tpu.wait_dma2 semaphore(%run_scoped3A : memref<!tpu.dma_semaphore, #tpu.memory_space<semaphore_mem>>) src(%dma_wait3A_118 : memref<384xi32, #tpu.memory_space<hbm>>) dst(%arg5 : memref<384xi32, #tpu.memory_space<vmem>>)
      tpu.yield
    }) : () -> ()
    %dma_start3A = arith.constant 0 : i32
    %dma_start3A_3 = arith.constant 0 : i32
    %dma_start3A_4 = tpu.memref_slice %arg6[%dma_start3A, %dma_start3A_3] : memref<384x128xf32, #tpu.memory_space<vmem>> -> memref<128x128xf32, #tpu.memory_space<vmem>>
    %dma_start3A_5 = arith.constant 0 : i32
    %dma_start3A_6 = tpu.memref_slice %arg5[%dma_start3A_5] : memref<384xi32, #tpu.memory_space<vmem>> -> memref<128xi32, #tpu.memory_space<vmem>>
    %dma_start3A_7 = arith.constant 0 : i32
    %dma_start3A_8 = arith.constant 0 : i32
    %dma_start3A_9 = tpu.memref_slice %arg3[%dma_start3A_7, %dma_start3A_8] : memref<2048x128xf32, #tpu.memory_space<hbm>> -> memref<2048x128xf32, #tpu.memory_space<hbm>>
    tpu.enqueue_indirect_dma source(%dma_start3A_9 : memref<2048x128xf32, #tpu.memory_space<hbm>>) target(%dma_start3A_4 : memref<128x128xf32, #tpu.memory_space<vmem>>) offsets(%dma_start3A_6 : memref<128xi32, #tpu.memory_space<vmem>>) semaphore(%arg7 : memref<!tpu.dma_semaphore, #tpu.memory_space<semaphore_mem>>)
    %dma_start3A_10 = arith.constant 128 : i32
    %dma_start3A_11 = arith.constant 0 : i32
    %dma_start3A_12 = tpu.memref_slice %arg6[%dma_start3A_10, %dma_start3A_11] : memref<384x128xf32, #tpu.memory_space<vmem>> -> memref<128x128xf32, #tpu.memory_space<vmem>>
    %dma_start3A_13 = arith.constant 128 : i32
    %dma_start3A_14 = tpu.memref_slice %arg5[%dma_start3A_13] : memref<384xi32, #tpu.memory_space<vmem>> -> memref<128xi32, #tpu.memory_space<vmem>>
    %dma_start3A_15 = arith.constant 0 : i32
    %dma_start3A_16 = arith.constant 0 : i32
    %dma_start3A_17 = tpu.memref_slice %arg3[%dma_start3A_15, %dma_start3A_16] : memref<2048x128xf32, #tpu.memory_space<hbm>> -> memref<2048x128xf32, #tpu.memory_space<hbm>>
    tpu.enqueue_indirect_dma source(%dma_start3A_17 : memref<2048x128xf32, #tpu.memory_space<hbm>>) target(%dma_start3A_12 : memref<128x128xf32, #tpu.memory_space<vmem>>) offsets(%dma_start3A_14 : memref<128xi32, #tpu.memory_space<vmem>>) semaphore(%arg8 : memref<!tpu.dma_semaphore, #tpu.memory_space<semaphore_mem>>)
    %dma_start3A_18 = arith.constant 256 : i32
    %dma_start3A_19 = arith.constant 0 : i32
    %dma_start3A_20 = tpu.memref_slice %arg6[%dma_start3A_18, %dma_start3A_19] : memref<384x128xf32, #tpu.memory_space<vmem>> -> memref<128x128xf32, #tpu.memory_space<vmem>>
    %dma_start3A_21 = arith.constant 256 : i32
    %dma_start3A_22 = tpu.memref_slice %arg5[%dma_start3A_21] : memref<384xi32, #tpu.memory_space<vmem>> -> memref<128xi32, #tpu.memory_space<vmem>>
    %dma_start3A_23 = arith.constant 0 : i32
    %dma_start3A_24 = arith.constant 0 : i32
    %dma_start3A_25 = tpu.memref_slice %arg3[%dma_start3A_23, %dma_start3A_24] : memref<2048x128xf32, #tpu.memory_space<hbm>> -> memref<2048x128xf32, #tpu.memory_space<hbm>>
    tpu.enqueue_indirect_dma source(%dma_start3A_25 : memref<2048x128xf32, #tpu.memory_space<hbm>>) target(%dma_start3A_20 : memref<128x128xf32, #tpu.memory_space<vmem>>) offsets(%dma_start3A_22 : memref<128xi32, #tpu.memory_space<vmem>>) semaphore(%arg9 : memref<!tpu.dma_semaphore, #tpu.memory_space<semaphore_mem>>)
    %dma_wait3A = arith.constant 0 : i32
    %dma_wait3A_26 = arith.constant 0 : i32
    %dma_wait3A_27 = tpu.memref_slice %arg6[%dma_wait3A, %dma_wait3A_26] : memref<384x128xf32, #tpu.memory_space<vmem>> -> memref<128x128xf32, #tpu.memory_space<vmem>>
    %dma_wait3A_28 = arith.constant 0 : i32
    %dma_wait3A_29 = tpu.memref_slice %arg5[%dma_wait3A_28] : memref<384xi32, #tpu.memory_space<vmem>> -> memref<128xi32, #tpu.memory_space<vmem>>
    %dma_wait3A_30 = arith.constant 0 : i32
    %dma_wait3A_31 = arith.constant 0 : i32
    %dma_wait3A_32 = tpu.memref_slice %arg3[%dma_wait3A_30, %dma_wait3A_31] : memref<2048x128xf32, #tpu.memory_space<hbm>> -> memref<2048x128xf32, #tpu.memory_space<hbm>>
    tpu.wait_indirect_dma semaphore(%arg7 : memref<!tpu.dma_semaphore, #tpu.memory_space<semaphore_mem>>) src(%dma_wait3A_32 : memref<2048x128xf32, #tpu.memory_space<hbm>>) dst(%dma_wait3A_27 : memref<128x128xf32, #tpu.memory_space<vmem>>)
    %add3A_33 = arith.constant 0 : i32
    %add3A_34 = arith.addi %mul3A_2, %add3A_33 : i32
    %dma_start3A_35 = arith.constant 0 : i32
    %dma_start3A_36 = arith.constant 0 : i32
    %dma_start3A_37 = tpu.memref_slice %arg6[%dma_start3A_35, %dma_start3A_36] : memref<384x128xf32, #tpu.memory_space<vmem>> -> memref<128x128xf32, #tpu.memory_space<vmem>>
    %dma_start3A_38 = arith.constant 0 : i32
    %dma_start3A_39 = tpu.memref_slice %arg4[%add3A_34, %dma_start3A_38] : memref<12288x128xf32, #tpu.memory_space<hbm>> -> memref<128x128xf32, #tpu.memory_space<hbm>>
    %dma_start3A_40 = arith.constant 0 : i32
    %dma_start3A_41 = tpu.memref_slice %arg4[%add3A_34, %dma_start3A_40] : memref<12288x128xf32, #tpu.memory_space<hbm>> -> memref<128x128xf32, #tpu.memory_space<hbm>>
    %dma_start3A_42 = arith.constant 0 : i32
    %dma_start3A_43 = arith.constant 0 : i32
    %dma_start3A_44 = tpu.memref_slice %arg6[%dma_start3A_42, %dma_start3A_43] : memref<384x128xf32, #tpu.memory_space<vmem>> -> memref<128x128xf32, #tpu.memory_space<vmem>>
    tpu.enqueue_dma source(%dma_start3A_44 : memref<128x128xf32, #tpu.memory_space<vmem>>) target(%dma_start3A_41 : memref<128x128xf32, #tpu.memory_space<hbm>>) target_semaphore(%arg7 : memref<!tpu.dma_semaphore, #tpu.memory_space<semaphore_mem>>)
    %dma_wait3A_45 = arith.constant 128 : i32
    %dma_wait3A_46 = arith.constant 0 : i32
    %dma_wait3A_47 = tpu.memref_slice %arg6[%dma_wait3A_45, %dma_wait3A_46] : memref<384x128xf32, #tpu.memory_space<vmem>> -> memref<128x128xf32, #tpu.memory_space<vmem>>
    %dma_wait3A_48 = arith.constant 128 : i32
    %dma_wait3A_49 = tpu.memref_slice %arg5[%dma_wait3A_48] : memref<384xi32, #tpu.memory_space<vmem>> -> memref<128xi32, #tpu.memory_space<vmem>>
    %dma_wait3A_50 = arith.constant 0 : i32
    %dma_wait3A_51 = arith.constant 0 : i32
    %dma_wait3A_52 = tpu.memref_slice %arg3[%dma_wait3A_50, %dma_wait3A_51] : memref<2048x128xf32, #tpu.memory_space<hbm>> -> memref<2048x128xf32, #tpu.memory_space<hbm>>
    tpu.wait_indirect_dma semaphore(%arg8 : memref<!tpu.dma_semaphore, #tpu.memory_space<semaphore_mem>>) src(%dma_wait3A_52 : memref<2048x128xf32, #tpu.memory_space<hbm>>) dst(%dma_wait3A_47 : memref<128x128xf32, #tpu.memory_space<vmem>>)
    %add3A_53 = arith.constant 128 : i32
    %add3A_54 = arith.addi %mul3A_2, %add3A_53 : i32
    %dma_start3A_55 = arith.constant 128 : i32
    %dma_start3A_56 = arith.constant 0 : i32
    %dma_start3A_57 = tpu.memref_slice %arg6[%dma_start3A_55, %dma_start3A_56] : memref<384x128xf32, #tpu.memory_space<vmem>> -> memref<128x128xf32, #tpu.memory_space<vmem>>
    %dma_start3A_58 = arith.constant 0 : i32
    %dma_start3A_59 = tpu.memref_slice %arg4[%add3A_54, %dma_start3A_58] : memref<12288x128xf32, #tpu.memory_space<hbm>> -> memref<128x128xf32, #tpu.memory_space<hbm>>
    %dma_start3A_60 = arith.constant 0 : i32
    %dma_start3A_61 = tpu.memref_slice %arg4[%add3A_54, %dma_start3A_60] : memref<12288x128xf32, #tpu.memory_space<hbm>> -> memref<128x128xf32, #tpu.memory_space<hbm>>
    %dma_start3A_62 = arith.constant 128 : i32
    %dma_start3A_63 = arith.constant 0 : i32
    %dma_start3A_64 = tpu.memref_slice %arg6[%dma_start3A_62, %dma_start3A_63] : memref<384x128xf32, #tpu.memory_space<vmem>> -> memref<128x128xf32, #tpu.memory_space<vmem>>
    tpu.enqueue_dma source(%dma_start3A_64 : memref<128x128xf32, #tpu.memory_space<vmem>>) target(%dma_start3A_61 : memref<128x128xf32, #tpu.memory_space<hbm>>) target_semaphore(%arg8 : memref<!tpu.dma_semaphore, #tpu.memory_space<semaphore_mem>>)
    %dma_wait3A_65 = arith.constant 256 : i32
    %dma_wait3A_66 = arith.constant 0 : i32
    %dma_wait3A_67 = tpu.memref_slice %arg6[%dma_wait3A_65, %dma_wait3A_66] : memref<384x128xf32, #tpu.memory_space<vmem>> -> memref<128x128xf32, #tpu.memory_space<vmem>>
    %dma_wait3A_68 = arith.constant 256 : i32
    %dma_wait3A_69 = tpu.memref_slice %arg5[%dma_wait3A_68] : memref<384xi32, #tpu.memory_space<vmem>> -> memref<128xi32, #tpu.memory_space<vmem>>
    %dma_wait3A_70 = arith.constant 0 : i32
    %dma_wait3A_71 = arith.constant 0 : i32
    %dma_wait3A_72 = tpu.memref_slice %arg3[%dma_wait3A_70, %dma_wait3A_71] : memref<2048x128xf32, #tpu.memory_space<hbm>> -> memref<2048x128xf32, #tpu.memory_space<hbm>>
    tpu.wait_indirect_dma semaphore(%arg9 : memref<!tpu.dma_semaphore, #tpu.memory_space<semaphore_mem>>) src(%dma_wait3A_72 : memref<2048x128xf32, #tpu.memory_space<hbm>>) dst(%dma_wait3A_67 : memref<128x128xf32, #tpu.memory_space<vmem>>)
    %add3A_73 = arith.constant 256 : i32
    %add3A_74 = arith.addi %mul3A_2, %add3A_73 : i32
    %dma_start3A_75 = arith.constant 256 : i32
    %dma_start3A_76 = arith.constant 0 : i32
    %dma_start3A_77 = tpu.memref_slice %arg6[%dma_start3A_75, %dma_start3A_76] : memref<384x128xf32, #tpu.memory_space<vmem>> -> memref<128x128xf32, #tpu.memory_space<vmem>>
    %dma_start3A_78 = arith.constant 0 : i32
    %dma_start3A_79 = tpu.memref_slice %arg4[%add3A_74, %dma_start3A_78] : memref<12288x128xf32, #tpu.memory_space<hbm>> -> memref<128x128xf32, #tpu.memory_space<hbm>>
    %dma_start3A_80 = arith.constant 0 : i32
    %dma_start3A_81 = tpu.memref_slice %arg4[%add3A_74, %dma_start3A_80] : memref<12288x128xf32, #tpu.memory_space<hbm>> -> memref<128x128xf32, #tpu.memory_space<hbm>>
    %dma_start3A_82 = arith.constant 256 : i32
    %dma_start3A_83 = arith.constant 0 : i32
    %dma_start3A_84 = tpu.memref_slice %arg6[%dma_start3A_82, %dma_start3A_83] : memref<384x128xf32, #tpu.memory_space<vmem>> -> memref<128x128xf32, #tpu.memory_space<vmem>>
    tpu.enqueue_dma source(%dma_start3A_84 : memref<128x128xf32, #tpu.memory_space<vmem>>) target(%dma_start3A_81 : memref<128x128xf32, #tpu.memory_space<hbm>>) target_semaphore(%arg9 : memref<!tpu.dma_semaphore, #tpu.memory_space<semaphore_mem>>)
    %dma_wait3A_85 = arith.constant 0 : i32
    %dma_wait3A_86 = arith.constant 0 : i32
    %dma_wait3A_87 = tpu.memref_slice %arg6[%dma_wait3A_85, %dma_wait3A_86] : memref<384x128xf32, #tpu.memory_space<vmem>> -> memref<128x128xf32, #tpu.memory_space<vmem>>
    %dma_wait3A_88 = arith.constant 0 : i32
    %dma_wait3A_89 = tpu.memref_slice %arg4[%add3A_34, %dma_wait3A_88] : memref<12288x128xf32, #tpu.memory_space<hbm>> -> memref<128x128xf32, #tpu.memory_space<hbm>>
    %dma_wait3A_90 = arith.constant 0 : i32
    %dma_wait3A_91 = tpu.memref_slice %arg4[%add3A_34, %dma_wait3A_90] : memref<12288x128xf32, #tpu.memory_space<hbm>> -> memref<128x128xf32, #tpu.memory_space<hbm>>
    %dma_wait3A_92 = arith.constant 0 : i32
    %dma_wait3A_93 = arith.constant 0 : i32
    %dma_wait3A_94 = tpu.memref_slice %arg6[%dma_wait3A_92, %dma_wait3A_93] : memref<384x128xf32, #tpu.memory_space<vmem>> -> memref<128x128xf32, #tpu.memory_space<vmem>>
    tpu.wait_dma2 semaphore(%arg7 : memref<!tpu.dma_semaphore, #tpu.memory_space<semaphore_mem>>) src(%dma_wait3A_94 : memref<128x128xf32, #tpu.memory_space<vmem>>) dst(%dma_wait3A_91 : memref<128x128xf32, #tpu.memory_space<hbm>>)
    %dma_wait3A_95 = arith.constant 128 : i32
    %dma_wait3A_96 = arith.constant 0 : i32
    %dma_wait3A_97 = tpu.memref_slice %arg6[%dma_wait3A_95, %dma_wait3A_96] : memref<384x128xf32, #tpu.memory_space<vmem>> -> memref<128x128xf32, #tpu.memory_space<vmem>>
    %dma_wait3A_98 = arith.constant 0 : i32
    %dma_wait3A_99 = tpu.memref_slice %arg4[%add3A_54, %dma_wait3A_98] : memref<12288x128xf32, #tpu.memory_space<hbm>> -> memref<128x128xf32, #tpu.memory_space<hbm>>
    %dma_wait3A_100 = arith.constant 0 : i32
    %dma_wait3A_101 = tpu.memref_slice %arg4[%add3A_54, %dma_wait3A_100] : memref<12288x128xf32, #tpu.memory_space<hbm>> -> memref<128x128xf32, #tpu.memory_space<hbm>>
    %dma_wait3A_102 = arith.constant 128 : i32
    %dma_wait3A_103 = arith.constant 0 : i32
    %dma_wait3A_104 = tpu.memref_slice %arg6[%dma_wait3A_102, %dma_wait3A_103] : memref<384x128xf32, #tpu.memory_space<vmem>> -> memref<128x128xf32, #tpu.memory_space<vmem>>
    tpu.wait_dma2 semaphore(%arg8 : memref<!tpu.dma_semaphore, #tpu.memory_space<semaphore_mem>>) src(%dma_wait3A_104 : memref<128x128xf32, #tpu.memory_space<vmem>>) dst(%dma_wait3A_101 : memref<128x128xf32, #tpu.memory_space<hbm>>)
    %dma_wait3A_105 = arith.constant 256 : i32
    %dma_wait3A_106 = arith.constant 0 : i32
    %dma_wait3A_107 = tpu.memref_slice %arg6[%dma_wait3A_105, %dma_wait3A_106] : memref<384x128xf32, #tpu.memory_space<vmem>> -> memref<128x128xf32, #tpu.memory_space<vmem>>
    %dma_wait3A_108 = arith.constant 0 : i32
    %dma_wait3A_109 = tpu.memref_slice %arg4[%add3A_74, %dma_wait3A_108] : memref<12288x128xf32, #tpu.memory_space<hbm>> -> memref<128x128xf32, #tpu.memory_space<hbm>>
    %dma_wait3A_110 = arith.constant 0 : i32
    %dma_wait3A_111 = tpu.memref_slice %arg4[%add3A_74, %dma_wait3A_110] : memref<12288x128xf32, #tpu.memory_space<hbm>> -> memref<128x128xf32, #tpu.memory_space<hbm>>
    %dma_wait3A_112 = arith.constant 256 : i32
    %dma_wait3A_113 = arith.constant 0 : i32
    %dma_wait3A_114 = tpu.memref_slice %arg6[%dma_wait3A_112, %dma_wait3A_113] : memref<384x128xf32, #tpu.memory_space<vmem>> -> memref<128x128xf32, #tpu.memory_space<vmem>>
    tpu.wait_dma2 semaphore(%arg9 : memref<!tpu.dma_semaphore, #tpu.memory_space<semaphore_mem>>) src(%dma_wait3A_114 : memref<128x128xf32, #tpu.memory_space<vmem>>) dst(%dma_wait3A_111 : memref<128x128xf32, #tpu.memory_space<hbm>>)
    return
  }
}

module attributes {stable_mosaic.version = 14 : i64} {
  func.func @_tc_body(%arg0: i32, %arg1: memref<64x144xf32, #tpu.memory_space<vmem>>, %arg2: memref<3072x128xf32, #tpu.memory_space<vmem>>, %arg3: memref<16x128xf32, #tpu.memory_space<vmem>>, %arg4: memref<16x128xf32, #tpu.memory_space<vmem>>, %arg5: memref<144x128xf32, #tpu.memory_space<vmem>>, %arg6: memref<144x48xf32, #tpu.memory_space<vmem>>, %arg7: memref<144x16xf32, #tpu.memory_space<vmem>>, %arg8: memref<64x144x128xf32, #tpu.memory_space<vmem>>) attributes {dimension_semantics = [#tpu.dimension_semantics<arbitrary>], iteration_bounds = array<i64: 4>, scalar_prefetch = 0 : i64, scratch_operands = 0 : i64, tpu.core_type = #tpu.core_type<tc>, window_params = [{transform_indices = @transform_0, window_bounds = array<i64: 64, 144>}, {transform_indices = @transform_1, window_bounds = array<i64: 3072, 128>}, {pipeline_mode = #tpu.pipeline_mode<synchronous>, transform_indices = @transform_2, window_bounds = array<i64: 16, 128>}, {pipeline_mode = #tpu.pipeline_mode<synchronous>, transform_indices = @transform_3, window_bounds = array<i64: 16, 128>}, {pipeline_mode = #tpu.pipeline_mode<synchronous>, transform_indices = @transform_4, window_bounds = array<i64: 144, 128>}, {pipeline_mode = #tpu.pipeline_mode<synchronous>, transform_indices = @transform_5, window_bounds = array<i64: 144, 48>}, {pipeline_mode = #tpu.pipeline_mode<synchronous>, transform_indices = @transform_6, window_bounds = array<i64: 144, 16>}, {transform_indices = @transform_7, window_bounds = array<i64: 64, 144, 128>}]} {
    %get3A = arith.constant 0 : index
    %get3A_0 = arith.constant 0 : index
    %get3A_1 = vector.load %arg7[%get3A, %get3A_0] : memref<144x16xf32, #tpu.memory_space<vmem>>, vector<144x16xf32>
    %get3A_2 = arith.constant 0 : index
    %get3A_3 = arith.constant 0 : index
    %get3A_4 = vector.load %arg3[%get3A_2, %get3A_3] : memref<16x128xf32, #tpu.memory_space<vmem>>, vector<16x128xf32>
    %dot_general3A = arith.constant dense<0.000000e+00> : vector<144x128xf32>
    %dot_general3A_5 = tpu.matmul %get3A_1, %get3A_4, %dot_general3A {dimension_numbers = #tpu.dot_dimension_numbers<[1], [0], [0], [1], [0, 0, 1, 1], [], []>, transpose_lhs_hint = false} : vector<144x16xf32>, vector<16x128xf32>, vector<144x128xf32> -> vector<144x128xf32>
    %get3A_6 = arith.constant 0 : index
    %get3A_7 = arith.constant 0 : index
    %get3A_8 = vector.load %arg4[%get3A_6, %get3A_7] : memref<16x128xf32, #tpu.memory_space<vmem>>, vector<16x128xf32>
    %dot_general3A_9 = arith.constant dense<0.000000e+00> : vector<144x128xf32>
    %dot_general3A_10 = tpu.matmul %get3A_1, %get3A_8, %dot_general3A_9 {dimension_numbers = #tpu.dot_dimension_numbers<[1], [0], [0], [1], [0, 0, 1, 1], [], []>, transpose_lhs_hint = false} : vector<144x16xf32>, vector<16x128xf32>, vector<144x128xf32> -> vector<144x128xf32>
    %get3A_11 = arith.constant 0 : index
    %get3A_12 = arith.constant 0 : index
    %get3A_13 = vector.load %arg5[%get3A_11, %get3A_12] : memref<144x128xf32, #tpu.memory_space<vmem>>, vector<144x128xf32>
    %add3A = arith.addf %dot_general3A_10, %get3A_13 : vector<144x128xf32>
    %get3A_14 = arith.constant 0 : index
    %get3A_15 = arith.constant 0 : index
    %get3A_16 = vector.load %arg6[%get3A_14, %get3A_15] : memref<144x48xf32, #tpu.memory_space<vmem>>, vector<144x48xf32>
    %get3A_17 = arith.constant 0 : index
    %get3A_18 = arith.constant 0 : index
    %get3A_19 = vector.load %arg1[%get3A_17, %get3A_18] : memref<64x144xf32, #tpu.memory_space<vmem>>, vector<64x144xf32>
    %transpose3A = tpu.transpose %get3A_19, [1, 0] : vector<64x144xf32> -> vector<144x64xf32>
    %get3A_20 = arith.constant 0 : index
    %get3A_21 = arith.constant 0 : index
    %get3A_22 = vector.load %arg2[%get3A_20, %get3A_21] : memref<3072x128xf32, #tpu.memory_space<vmem>>, vector<48x128xf32>
    %dot_general3A_23 = arith.constant dense<0.000000e+00> : vector<144x128xf32>
    %dot_general3A_24 = tpu.matmul %get3A_16, %get3A_22, %dot_general3A_23 {dimension_numbers = #tpu.dot_dimension_numbers<[1], [0], [0], [1], [0, 0, 1, 1], [], []>, transpose_lhs_hint = false} : vector<144x48xf32>, vector<48x128xf32>, vector<144x128xf32> -> vector<144x128xf32>
    %slice3A = vector.extract_strided_slice %transpose3A {offsets = [0, 0], sizes = [144, 1], strides = [1, 1]} : vector<144x64xf32> to vector<144x1xf32>
    %mul3A = vector.broadcast %slice3A : vector<144x1xf32> to vector<144x128xf32>
    %mul3A_25 = arith.mulf %mul3A, %dot_general3A_5 : vector<144x128xf32>
    %add3A_26 = arith.addf %dot_general3A_24, %mul3A_25 : vector<144x128xf32>
    %add3A_27 = arith.addf %add3A_26, %add3A : vector<144x128xf32>
    %swap3A = arith.constant 0 : index
    %swap3A_28 = arith.constant 0 : index
    %swap3A_29 = arith.constant 0 : index
    %swap3A_30 = vector.load %arg8[%swap3A, %swap3A_28, %swap3A_29] : memref<64x144x128xf32, #tpu.memory_space<vmem>>, vector<1x144x128xf32>
    %swap3A_31 = vector.shape_cast %swap3A_30 : vector<1x144x128xf32> to vector<144x128xf32>
    %swap3A_32 = vector.shape_cast %add3A_27 : vector<144x128xf32> to vector<1x144x128xf32>
    tpu.vector_store %arg8[%swap3A, %swap3A_28, %swap3A_29], %swap3A_32 {strides = array<i32>} : memref<64x144x128xf32, #tpu.memory_space<vmem>>, vector<1x144x128xf32>,
    %get3A_33 = arith.constant 48 : index
    %get3A_34 = arith.constant 0 : index
    %get3A_35 = vector.load %arg2[%get3A_33, %get3A_34] : memref<3072x128xf32, #tpu.memory_space<vmem>>, vector<48x128xf32>
    %dot_general3A_36 = arith.constant dense<0.000000e+00> : vector<144x128xf32>
    %dot_general3A_37 = tpu.matmul %get3A_16, %get3A_35, %dot_general3A_36 {dimension_numbers = #tpu.dot_dimension_numbers<[1], [0], [0], [1], [0, 0, 1, 1], [], []>, transpose_lhs_hint = false} : vector<144x48xf32>, vector<48x128xf32>, vector<144x128xf32> -> vector<144x128xf32>
    %slice3A_38 = vector.extract_strided_slice %transpose3A {offsets = [0, 1], sizes = [144, 1], strides = [1, 1]} : vector<144x64xf32> to vector<144x1xf32>
    %mul3A_39 = vector.broadcast %slice3A_38 : vector<144x1xf32> to vector<144x128xf32>
    %mul3A_40 = arith.mulf %mul3A_39, %dot_general3A_5 : vector<144x128xf32>
    %add3A_41 = arith.addf %dot_general3A_37, %mul3A_40 : vector<144x128xf32>
    %add3A_42 = arith.addf %add3A_41, %add3A : vector<144x128xf32>
    %swap3A_43 = arith.constant 1 : index
    %swap3A_44 = arith.constant 0 : index
    %swap3A_45 = arith.constant 0 : index
    %swap3A_46 = vector.load %arg8[%swap3A_43, %swap3A_44, %swap3A_45] : memref<64x144x128xf32, #tpu.memory_space<vmem>>, vector<1x144x128xf32>
    %swap3A_47 = vector.shape_cast %swap3A_46 : vector<1x144x128xf32> to vector<144x128xf32>
    %swap3A_48 = vector.shape_cast %add3A_42 : vector<144x128xf32> to vector<1x144x128xf32>
    tpu.vector_store %arg8[%swap3A_43, %swap3A_44, %swap3A_45], %swap3A_48 {strides = array<i32>} : memref<64x144x128xf32, #tpu.memory_space<vmem>>, vector<1x144x128xf32>,
    %get3A_49 = arith.constant 96 : index
    %get3A_50 = arith.constant 0 : index
    %get3A_51 = vector.load %arg2[%get3A_49, %get3A_50] : memref<3072x128xf32, #tpu.memory_space<vmem>>, vector<48x128xf32>
    %dot_general3A_52 = arith.constant dense<0.000000e+00> : vector<144x128xf32>
    %dot_general3A_53 = tpu.matmul %get3A_16, %get3A_51, %dot_general3A_52 {dimension_numbers = #tpu.dot_dimension_numbers<[1], [0], [0], [1], [0, 0, 1, 1], [], []>, transpose_lhs_hint = false} : vector<144x48xf32>, vector<48x128xf32>, vector<144x128xf32> -> vector<144x128xf32>
    %slice3A_54 = vector.extract_strided_slice %transpose3A {offsets = [0, 2], sizes = [144, 1], strides = [1, 1]} : vector<144x64xf32> to vector<144x1xf32>
    %mul3A_55 = vector.broadcast %slice3A_54 : vector<144x1xf32> to vector<144x128xf32>
    %mul3A_56 = arith.mulf %mul3A_55, %dot_general3A_5 : vector<144x128xf32>
    %add3A_57 = arith.addf %dot_general3A_53, %mul3A_56 : vector<144x128xf32>
    %add3A_58 = arith.addf %add3A_57, %add3A : vector<144x128xf32>
    %swap3A_59 = arith.constant 2 : index
    %swap3A_60 = arith.constant 0 : index
    %swap3A_61 = arith.constant 0 : index
    %swap3A_62 = vector.load %arg8[%swap3A_59, %swap3A_60, %swap3A_61] : memref<64x144x128xf32, #tpu.memory_space<vmem>>, vector<1x144x128xf32>
    %swap3A_63 = vector.shape_cast %swap3A_62 : vector<1x144x128xf32> to vector<144x128xf32>
    %swap3A_64 = vector.shape_cast %add3A_58 : vector<144x128xf32> to vector<1x144x128xf32>
    tpu.vector_store %arg8[%swap3A_59, %swap3A_60, %swap3A_61], %swap3A_64 {strides = array<i32>} : memref<64x144x128xf32, #tpu.memory_space<vmem>>, vector<1x144x128xf32>,
    %get3A_65 = arith.constant 144 : index
    %get3A_66 = arith.constant 0 : index
    %get3A_67 = vector.load %arg2[%get3A_65, %get3A_66] : memref<3072x128xf32, #tpu.memory_space<vmem>>, vector<48x128xf32>
    %dot_general3A_68 = arith.constant dense<0.000000e+00> : vector<144x128xf32>
    %dot_general3A_69 = tpu.matmul %get3A_16, %get3A_67, %dot_general3A_68 {dimension_numbers = #tpu.dot_dimension_numbers<[1], [0], [0], [1], [0, 0, 1, 1], [], []>, transpose_lhs_hint = false} : vector<144x48xf32>, vector<48x128xf32>, vector<144x128xf32> -> vector<144x128xf32>
    %slice3A_70 = vector.extract_strided_slice %transpose3A {offsets = [0, 3], sizes = [144, 1], strides = [1, 1]} : vector<144x64xf32> to vector<144x1xf32>
    %mul3A_71 = vector.broadcast %slice3A_70 : vector<144x1xf32> to vector<144x128xf32>
    %mul3A_72 = arith.mulf %mul3A_71, %dot_general3A_5 : vector<144x128xf32>
    %add3A_73 = arith.addf %dot_general3A_69, %mul3A_72 : vector<144x128xf32>
    %add3A_74 = arith.addf %add3A_73, %add3A : vector<144x128xf32>
    %swap3A_75 = arith.constant 3 : index
    %swap3A_76 = arith.constant 0 : index
    %swap3A_77 = arith.constant 0 : index
    %swap3A_78 = vector.load %arg8[%swap3A_75, %swap3A_76, %swap3A_77] : memref<64x144x128xf32, #tpu.memory_space<vmem>>, vector<1x144x128xf32>
    %swap3A_79 = vector.shape_cast %swap3A_78 : vector<1x144x128xf32> to vector<144x128xf32>
    %swap3A_80 = vector.shape_cast %add3A_74 : vector<144x128xf32> to vector<1x144x128xf32>
    tpu.vector_store %arg8[%swap3A_75, %swap3A_76, %swap3A_77], %swap3A_80 {strides = array<i32>} : memref<64x144x128xf32, #tpu.memory_space<vmem>>, vector<1x144x128xf32>,
    %get3A_81 = arith.constant 192 : index
    %get3A_82 = arith.constant 0 : index
    %get3A_83 = vector.load %arg2[%get3A_81, %get3A_82] : memref<3072x128xf32, #tpu.memory_space<vmem>>, vector<48x128xf32>
    %dot_general3A_84 = arith.constant dense<0.000000e+00> : vector<144x128xf32>
    %dot_general3A_85 = tpu.matmul %get3A_16, %get3A_83, %dot_general3A_84 {dimension_numbers = #tpu.dot_dimension_numbers<[1], [0], [0], [1], [0, 0, 1, 1], [], []>, transpose_lhs_hint = false} : vector<144x48xf32>, vector<48x128xf32>, vector<144x128xf32> -> vector<144x128xf32>
    %slice3A_86 = vector.extract_strided_slice %transpose3A {offsets = [0, 4], sizes = [144, 1], strides = [1, 1]} : vector<144x64xf32> to vector<144x1xf32>
    %mul3A_87 = vector.broadcast %slice3A_86 : vector<144x1xf32> to vector<144x128xf32>
    %mul3A_88 = arith.mulf %mul3A_87, %dot_general3A_5 : vector<144x128xf32>
    %add3A_89 = arith.addf %dot_general3A_85, %mul3A_88 : vector<144x128xf32>
    %add3A_90 = arith.addf %add3A_89, %add3A : vector<144x128xf32>
    %swap3A_91 = arith.constant 4 : index
    %swap3A_92 = arith.constant 0 : index
    %swap3A_93 = arith.constant 0 : index
    %swap3A_94 = vector.load %arg8[%swap3A_91, %swap3A_92, %swap3A_93] : memref<64x144x128xf32, #tpu.memory_space<vmem>>, vector<1x144x128xf32>
    %swap3A_95 = vector.shape_cast %swap3A_94 : vector<1x144x128xf32> to vector<144x128xf32>
    %swap3A_96 = vector.shape_cast %add3A_90 : vector<144x128xf32> to vector<1x144x128xf32>
    tpu.vector_store %arg8[%swap3A_91, %swap3A_92, %swap3A_93], %swap3A_96 {strides = array<i32>} : memref<64x144x128xf32, #tpu.memory_space<vmem>>, vector<1x144x128xf32>,
    %get3A_97 = arith.constant 240 : index
    %get3A_98 = arith.constant 0 : index
    %get3A_99 = vector.load %arg2[%get3A_97, %get3A_98] : memref<3072x128xf32, #tpu.memory_space<vmem>>, vector<48x128xf32>
    %dot_general3A_100 = arith.constant dense<0.000000e+00> : vector<144x128xf32>
    %dot_general3A_101 = tpu.matmul %get3A_16, %get3A_99, %dot_general3A_100 {dimension_numbers = #tpu.dot_dimension_numbers<[1], [0], [0], [1], [0, 0, 1, 1], [], []>, transpose_lhs_hint = false} : vector<144x48xf32>, vector<48x128xf32>, vector<144x128xf32> -> vector<144x128xf32>
    %slice3A_102 = vector.extract_strided_slice %transpose3A {offsets = [0, 5], sizes = [144, 1], strides = [1, 1]} : vector<144x64xf32> to vector<144x1xf32>
    %mul3A_103 = vector.broadcast %slice3A_102 : vector<144x1xf32> to vector<144x128xf32>
    %mul3A_104 = arith.mulf %mul3A_103, %dot_general3A_5 : vector<144x128xf32>
    %add3A_105 = arith.addf %dot_general3A_101, %mul3A_104 : vector<144x128xf32>
    %add3A_106 = arith.addf %add3A_105, %add3A : vector<144x128xf32>
    %swap3A_107 = arith.constant 5 : index
    %swap3A_108 = arith.constant 0 : index
    %swap3A_109 = arith.constant 0 : index
    %swap3A_110 = vector.load %arg8[%swap3A_107, %swap3A_108, %swap3A_109] : memref<64x144x128xf32, #tpu.memory_space<vmem>>, vector<1x144x128xf32>
    %swap3A_111 = vector.shape_cast %swap3A_110 : vector<1x144x128xf32> to vector<144x128xf32>
    %swap3A_112 = vector.shape_cast %add3A_106 : vector<144x128xf32> to vector<1x144x128xf32>
    tpu.vector_store %arg8[%swap3A_107, %swap3A_108, %swap3A_109], %swap3A_112 {strides = array<i32>} : memref<64x144x128xf32, #tpu.memory_space<vmem>>, vector<1x144x128xf32>,
    %get3A_113 = arith.constant 288 : index
    %get3A_114 = arith.constant 0 : index
    %get3A_115 = vector.load %arg2[%get3A_113, %get3A_114] : memref<3072x128xf32, #tpu.memory_space<vmem>>, vector<48x128xf32>
    %dot_general3A_116 = arith.constant dense<0.000000e+00> : vector<144x128xf32>
    %dot_general3A_117 = tpu.matmul %get3A_16, %get3A_115, %dot_general3A_116 {dimension_numbers = #tpu.dot_dimension_numbers<[1], [0], [0], [1], [0, 0, 1, 1], [], []>, transpose_lhs_hint = false} : vector<144x48xf32>, vector<48x128xf32>, vector<144x128xf32> -> vector<144x128xf32>
    %slice3A_118 = vector.extract_strided_slice %transpose3A {offsets = [0, 6], sizes = [144, 1], strides = [1, 1]} : vector<144x64xf32> to vector<144x1xf32>
    %mul3A_119 = vector.broadcast %slice3A_118 : vector<144x1xf32> to vector<144x128xf32>
    %mul3A_120 = arith.mulf %mul3A_119, %dot_general3A_5 : vector<144x128xf32>
    %add3A_121 = arith.addf %dot_general3A_117, %mul3A_120 : vector<144x128xf32>
    %add3A_122 = arith.addf %add3A_121, %add3A : vector<144x128xf32>
    %swap3A_123 = arith.constant 6 : index
    %swap3A_124 = arith.constant 0 : index
    %swap3A_125 = arith.constant 0 : index
    %swap3A_126 = vector.load %arg8[%swap3A_123, %swap3A_124, %swap3A_125] : memref<64x144x128xf32, #tpu.memory_space<vmem>>, vector<1x144x128xf32>
    %swap3A_127 = vector.shape_cast %swap3A_126 : vector<1x144x128xf32> to vector<144x128xf32>
    %swap3A_128 = vector.shape_cast %add3A_122 : vector<144x128xf32> to vector<1x144x128xf32>
    tpu.vector_store %arg8[%swap3A_123, %swap3A_124, %swap3A_125], %swap3A_128 {strides = array<i32>} : memref<64x144x128xf32, #tpu.memory_space<vmem>>, vector<1x144x128xf32>,
    %get3A_129 = arith.constant 336 : index
    %get3A_130 = arith.constant 0 : index
    %get3A_131 = vector.load %arg2[%get3A_129, %get3A_130] : memref<3072x128xf32, #tpu.memory_space<vmem>>, vector<48x128xf32>
    %dot_general3A_132 = arith.constant dense<0.000000e+00> : vector<144x128xf32>
    %dot_general3A_133 = tpu.matmul %get3A_16, %get3A_131, %dot_general3A_132 {dimension_numbers = #tpu.dot_dimension_numbers<[1], [0], [0], [1], [0, 0, 1, 1], [], []>, transpose_lhs_hint = false} : vector<144x48xf32>, vector<48x128xf32>, vector<144x128xf32> -> vector<144x128xf32>
    %slice3A_134 = vector.extract_strided_slice %transpose3A {offsets = [0, 7], sizes = [144, 1], strides = [1, 1]} : vector<144x64xf32> to vector<144x1xf32>
    %mul3A_135 = vector.broadcast %slice3A_134 : vector<144x1xf32> to vector<144x128xf32>
    %mul3A_136 = arith.mulf %mul3A_135, %dot_general3A_5 : vector<144x128xf32>
    %add3A_137 = arith.addf %dot_general3A_133, %mul3A_136 : vector<144x128xf32>
    %add3A_138 = arith.addf %add3A_137, %add3A : vector<144x128xf32>
    %swap3A_139 = arith.constant 7 : index
    %swap3A_140 = arith.constant 0 : index
    %swap3A_141 = arith.constant 0 : index
    %swap3A_142 = vector.load %arg8[%swap3A_139, %swap3A_140, %swap3A_141] : memref<64x144x128xf32, #tpu.memory_space<vmem>>, vector<1x144x128xf32>
    %swap3A_143 = vector.shape_cast %swap3A_142 : vector<1x144x128xf32> to vector<144x128xf32>
    %swap3A_144 = vector.shape_cast %add3A_138 : vector<144x128xf32> to vector<1x144x128xf32>
    tpu.vector_store %arg8[%swap3A_139, %swap3A_140, %swap3A_141], %swap3A_144 {strides = array<i32>} : memref<64x144x128xf32, #tpu.memory_space<vmem>>, vector<1x144x128xf32>,
    %get3A_145 = arith.constant 384 : index
    %get3A_146 = arith.constant 0 : index
    %get3A_147 = vector.load %arg2[%get3A_145, %get3A_146] : memref<3072x128xf32, #tpu.memory_space<vmem>>, vector<48x128xf32>
    %dot_general3A_148 = arith.constant dense<0.000000e+00> : vector<144x128xf32>
    %dot_general3A_149 = tpu.matmul %get3A_16, %get3A_147, %dot_general3A_148 {dimension_numbers = #tpu.dot_dimension_numbers<[1], [0], [0], [1], [0, 0, 1, 1], [], []>, transpose_lhs_hint = false} : vector<144x48xf32>, vector<48x128xf32>, vector<144x128xf32> -> vector<144x128xf32>
    %slice3A_150 = vector.extract_strided_slice %transpose3A {offsets = [0, 8], sizes = [144, 1], strides = [1, 1]} : vector<144x64xf32> to vector<144x1xf32>
    %mul3A_151 = vector.broadcast %slice3A_150 : vector<144x1xf32> to vector<144x128xf32>
    %mul3A_152 = arith.mulf %mul3A_151, %dot_general3A_5 : vector<144x128xf32>
    %add3A_153 = arith.addf %dot_general3A_149, %mul3A_152 : vector<144x128xf32>
    %add3A_154 = arith.addf %add3A_153, %add3A : vector<144x128xf32>
    %swap3A_155 = arith.constant 8 : index
    %swap3A_156 = arith.constant 0 : index
    %swap3A_157 = arith.constant 0 : index
    %swap3A_158 = vector.load %arg8[%swap3A_155, %swap3A_156, %swap3A_157] : memref<64x144x128xf32, #tpu.memory_space<vmem>>, vector<1x144x128xf32>
    %swap3A_159 = vector.shape_cast %swap3A_158 : vector<1x144x128xf32> to vector<144x128xf32>
    %swap3A_160 = vector.shape_cast %add3A_154 : vector<144x128xf32> to vector<1x144x128xf32>
    tpu.vector_store %arg8[%swap3A_155, %swap3A_156, %swap3A_157], %swap3A_160 {strides = array<i32>} : memref<64x144x128xf32, #tpu.memory_space<vmem>>, vector<1x144x128xf32>,
    %get3A_161 = arith.constant 432 : index
    %get3A_162 = arith.constant 0 : index
    %get3A_163 = vector.load %arg2[%get3A_161, %get3A_162] : memref<3072x128xf32, #tpu.memory_space<vmem>>, vector<48x128xf32>
    %dot_general3A_164 = arith.constant dense<0.000000e+00> : vector<144x128xf32>
    %dot_general3A_165 = tpu.matmul %get3A_16, %get3A_163, %dot_general3A_164 {dimension_numbers = #tpu.dot_dimension_numbers<[1], [0], [0], [1], [0, 0, 1, 1], [], []>, transpose_lhs_hint = false} : vector<144x48xf32>, vector<48x128xf32>, vector<144x128xf32> -> vector<144x128xf32>
    %slice3A_166 = vector.extract_strided_slice %transpose3A {offsets = [0, 9], sizes = [144, 1], strides = [1, 1]} : vector<144x64xf32> to vector<144x1xf32>
    %mul3A_167 = vector.broadcast %slice3A_166 : vector<144x1xf32> to vector<144x128xf32>
    %mul3A_168 = arith.mulf %mul3A_167, %dot_general3A_5 : vector<144x128xf32>
    %add3A_169 = arith.addf %dot_general3A_165, %mul3A_168 : vector<144x128xf32>
    %add3A_170 = arith.addf %add3A_169, %add3A : vector<144x128xf32>
    %swap3A_171 = arith.constant 9 : index
    %swap3A_172 = arith.constant 0 : index
    %swap3A_173 = arith.constant 0 : index
    %swap3A_174 = vector.load %arg8[%swap3A_171, %swap3A_172, %swap3A_173] : memref<64x144x128xf32, #tpu.memory_space<vmem>>, vector<1x144x128xf32>
    %swap3A_175 = vector.shape_cast %swap3A_174 : vector<1x144x128xf32> to vector<144x128xf32>
    %swap3A_176 = vector.shape_cast %add3A_170 : vector<144x128xf32> to vector<1x144x128xf32>
    tpu.vector_store %arg8[%swap3A_171, %swap3A_172, %swap3A_173], %swap3A_176 {strides = array<i32>} : memref<64x144x128xf32, #tpu.memory_space<vmem>>, vector<1x144x128xf32>,
    %get3A_177 = arith.constant 480 : index
    %get3A_178 = arith.constant 0 : index
    %get3A_179 = vector.load %arg2[%get3A_177, %get3A_178] : memref<3072x128xf32, #tpu.memory_space<vmem>>, vector<48x128xf32>
    %dot_general3A_180 = arith.constant dense<0.000000e+00> : vector<144x128xf32>
    %dot_general3A_181 = tpu.matmul %get3A_16, %get3A_179, %dot_general3A_180 {dimension_numbers = #tpu.dot_dimension_numbers<[1], [0], [0], [1], [0, 0, 1, 1], [], []>, transpose_lhs_hint = false} : vector<144x48xf32>, vector<48x128xf32>, vector<144x128xf32> -> vector<144x128xf32>
    %slice3A_182 = vector.extract_strided_slice %transpose3A {offsets = [0, 10], sizes = [144, 1], strides = [1, 1]} : vector<144x64xf32> to vector<144x1xf32>
    %mul3A_183 = vector.broadcast %slice3A_182 : vector<144x1xf32> to vector<144x128xf32>
    %mul3A_184 = arith.mulf %mul3A_183, %dot_general3A_5 : vector<144x128xf32>
    %add3A_185 = arith.addf %dot_general3A_181, %mul3A_184 : vector<144x128xf32>
    %add3A_186 = arith.addf %add3A_185, %add3A : vector<144x128xf32>
    %swap3A_187 = arith.constant 10 : index
    %swap3A_188 = arith.constant 0 : index
    %swap3A_189 = arith.constant 0 : index
    %swap3A_190 = vector.load %arg8[%swap3A_187, %swap3A_188, %swap3A_189] : memref<64x144x128xf32, #tpu.memory_space<vmem>>, vector<1x144x128xf32>
    %swap3A_191 = vector.shape_cast %swap3A_190 : vector<1x144x128xf32> to vector<144x128xf32>
    %swap3A_192 = vector.shape_cast %add3A_186 : vector<144x128xf32> to vector<1x144x128xf32>
    tpu.vector_store %arg8[%swap3A_187, %swap3A_188, %swap3A_189], %swap3A_192 {strides = array<i32>} : memref<64x144x128xf32, #tpu.memory_space<vmem>>, vector<1x144x128xf32>,
    %get3A_193 = arith.constant 528 : index
    %get3A_194 = arith.constant 0 : index
    %get3A_195 = vector.load %arg2[%get3A_193, %get3A_194] : memref<3072x128xf32, #tpu.memory_space<vmem>>, vector<48x128xf32>
    %dot_general3A_196 = arith.constant dense<0.000000e+00> : vector<144x128xf32>
    %dot_general3A_197 = tpu.matmul %get3A_16, %get3A_195, %dot_general3A_196 {dimension_numbers = #tpu.dot_dimension_numbers<[1], [0], [0], [1], [0, 0, 1, 1], [], []>, transpose_lhs_hint = false} : vector<144x48xf32>, vector<48x128xf32>, vector<144x128xf32> -> vector<144x128xf32>
    %slice3A_198 = vector.extract_strided_slice %transpose3A {offsets = [0, 11], sizes = [144, 1], strides = [1, 1]} : vector<144x64xf32> to vector<144x1xf32>
    %mul3A_199 = vector.broadcast %slice3A_198 : vector<144x1xf32> to vector<144x128xf32>
    %mul3A_200 = arith.mulf %mul3A_199, %dot_general3A_5 : vector<144x128xf32>
    %add3A_201 = arith.addf %dot_general3A_197, %mul3A_200 : vector<144x128xf32>
    %add3A_202 = arith.addf %add3A_201, %add3A : vector<144x128xf32>
    %swap3A_203 = arith.constant 11 : index
    %swap3A_204 = arith.constant 0 : index
    %swap3A_205 = arith.constant 0 : index
    %swap3A_206 = vector.load %arg8[%swap3A_203, %swap3A_204, %swap3A_205] : memref<64x144x128xf32, #tpu.memory_space<vmem>>, vector<1x144x128xf32>
    %swap3A_207 = vector.shape_cast %swap3A_206 : vector<1x144x128xf32> to vector<144x128xf32>
    %swap3A_208 = vector.shape_cast %add3A_202 : vector<144x128xf32> to vector<1x144x128xf32>
    tpu.vector_store %arg8[%swap3A_203, %swap3A_204, %swap3A_205], %swap3A_208 {strides = array<i32>} : memref<64x144x128xf32, #tpu.memory_space<vmem>>, vector<1x144x128xf32>,
    %get3A_209 = arith.constant 576 : index
    %get3A_210 = arith.constant 0 : index
    %get3A_211 = vector.load %arg2[%get3A_209, %get3A_210] : memref<3072x128xf32, #tpu.memory_space<vmem>>, vector<48x128xf32>
    %dot_general3A_212 = arith.constant dense<0.000000e+00> : vector<144x128xf32>
    %dot_general3A_213 = tpu.matmul %get3A_16, %get3A_211, %dot_general3A_212 {dimension_numbers = #tpu.dot_dimension_numbers<[1], [0], [0], [1], [0, 0, 1, 1], [], []>, transpose_lhs_hint = false} : vector<144x48xf32>, vector<48x128xf32>, vector<144x128xf32> -> vector<144x128xf32>
    %slice3A_214 = vector.extract_strided_slice %transpose3A {offsets = [0, 12], sizes = [144, 1], strides = [1, 1]} : vector<144x64xf32> to vector<144x1xf32>
    %mul3A_215 = vector.broadcast %slice3A_214 : vector<144x1xf32> to vector<144x128xf32>
    %mul3A_216 = arith.mulf %mul3A_215, %dot_general3A_5 : vector<144x128xf32>
    %add3A_217 = arith.addf %dot_general3A_213, %mul3A_216 : vector<144x128xf32>
    %add3A_218 = arith.addf %add3A_217, %add3A : vector<144x128xf32>
    %swap3A_219 = arith.constant 12 : index
    %swap3A_220 = arith.constant 0 : index
    %swap3A_221 = arith.constant 0 : index
    %swap3A_222 = vector.load %arg8[%swap3A_219, %swap3A_220, %swap3A_221] : memref<64x144x128xf32, #tpu.memory_space<vmem>>, vector<1x144x128xf32>
    %swap3A_223 = vector.shape_cast %swap3A_222 : vector<1x144x128xf32> to vector<144x128xf32>
    %swap3A_224 = vector.shape_cast %add3A_218 : vector<144x128xf32> to vector<1x144x128xf32>
    tpu.vector_store %arg8[%swap3A_219, %swap3A_220, %swap3A_221], %swap3A_224 {strides = array<i32>} : memref<64x144x128xf32, #tpu.memory_space<vmem>>, vector<1x144x128xf32>,
    %get3A_225 = arith.constant 624 : index
    %get3A_226 = arith.constant 0 : index
    %get3A_227 = vector.load %arg2[%get3A_225, %get3A_226] : memref<3072x128xf32, #tpu.memory_space<vmem>>, vector<48x128xf32>
    %dot_general3A_228 = arith.constant dense<0.000000e+00> : vector<144x128xf32>
    %dot_general3A_229 = tpu.matmul %get3A_16, %get3A_227, %dot_general3A_228 {dimension_numbers = #tpu.dot_dimension_numbers<[1], [0], [0], [1], [0, 0, 1, 1], [], []>, transpose_lhs_hint = false} : vector<144x48xf32>, vector<48x128xf32>, vector<144x128xf32> -> vector<144x128xf32>
    %slice3A_230 = vector.extract_strided_slice %transpose3A {offsets = [0, 13], sizes = [144, 1], strides = [1, 1]} : vector<144x64xf32> to vector<144x1xf32>
    %mul3A_231 = vector.broadcast %slice3A_230 : vector<144x1xf32> to vector<144x128xf32>
    %mul3A_232 = arith.mulf %mul3A_231, %dot_general3A_5 : vector<144x128xf32>
    %add3A_233 = arith.addf %dot_general3A_229, %mul3A_232 : vector<144x128xf32>
    %add3A_234 = arith.addf %add3A_233, %add3A : vector<144x128xf32>
    %swap3A_235 = arith.constant 13 : index
    %swap3A_236 = arith.constant 0 : index
    %swap3A_237 = arith.constant 0 : index
    %swap3A_238 = vector.load %arg8[%swap3A_235, %swap3A_236, %swap3A_237] : memref<64x144x128xf32, #tpu.memory_space<vmem>>, vector<1x144x128xf32>
    %swap3A_239 = vector.shape_cast %swap3A_238 : vector<1x144x128xf32> to vector<144x128xf32>
    %swap3A_240 = vector.shape_cast %add3A_234 : vector<144x128xf32> to vector<1x144x128xf32>
    tpu.vector_store %arg8[%swap3A_235, %swap3A_236, %swap3A_237], %swap3A_240 {strides = array<i32>} : memref<64x144x128xf32, #tpu.memory_space<vmem>>, vector<1x144x128xf32>,
    %get3A_241 = arith.constant 672 : index
    %get3A_242 = arith.constant 0 : index
    %get3A_243 = vector.load %arg2[%get3A_241, %get3A_242] : memref<3072x128xf32, #tpu.memory_space<vmem>>, vector<48x128xf32>
    %dot_general3A_244 = arith.constant dense<0.000000e+00> : vector<144x128xf32>
    %dot_general3A_245 = tpu.matmul %get3A_16, %get3A_243, %dot_general3A_244 {dimension_numbers = #tpu.dot_dimension_numbers<[1], [0], [0], [1], [0, 0, 1, 1], [], []>, transpose_lhs_hint = false} : vector<144x48xf32>, vector<48x128xf32>, vector<144x128xf32> -> vector<144x128xf32>
    %slice3A_246 = vector.extract_strided_slice %transpose3A {offsets = [0, 14], sizes = [144, 1], strides = [1, 1]} : vector<144x64xf32> to vector<144x1xf32>
    %mul3A_247 = vector.broadcast %slice3A_246 : vector<144x1xf32> to vector<144x128xf32>
    %mul3A_248 = arith.mulf %mul3A_247, %dot_general3A_5 : vector<144x128xf32>
    %add3A_249 = arith.addf %dot_general3A_245, %mul3A_248 : vector<144x128xf32>
    %add3A_250 = arith.addf %add3A_249, %add3A : vector<144x128xf32>
    %swap3A_251 = arith.constant 14 : index
    %swap3A_252 = arith.constant 0 : index
    %swap3A_253 = arith.constant 0 : index
    %swap3A_254 = vector.load %arg8[%swap3A_251, %swap3A_252, %swap3A_253] : memref<64x144x128xf32, #tpu.memory_space<vmem>>, vector<1x144x128xf32>
    %swap3A_255 = vector.shape_cast %swap3A_254 : vector<1x144x128xf32> to vector<144x128xf32>
    %swap3A_256 = vector.shape_cast %add3A_250 : vector<144x128xf32> to vector<1x144x128xf32>
    tpu.vector_store %arg8[%swap3A_251, %swap3A_252, %swap3A_253], %swap3A_256 {strides = array<i32>} : memref<64x144x128xf32, #tpu.memory_space<vmem>>, vector<1x144x128xf32>,
    %get3A_257 = arith.constant 720 : index
    %get3A_258 = arith.constant 0 : index
    %get3A_259 = vector.load %arg2[%get3A_257, %get3A_258] : memref<3072x128xf32, #tpu.memory_space<vmem>>, vector<48x128xf32>
    %dot_general3A_260 = arith.constant dense<0.000000e+00> : vector<144x128xf32>
    %dot_general3A_261 = tpu.matmul %get3A_16, %get3A_259, %dot_general3A_260 {dimension_numbers = #tpu.dot_dimension_numbers<[1], [0], [0], [1], [0, 0, 1, 1], [], []>, transpose_lhs_hint = false} : vector<144x48xf32>, vector<48x128xf32>, vector<144x128xf32> -> vector<144x128xf32>
    %slice3A_262 = vector.extract_strided_slice %transpose3A {offsets = [0, 15], sizes = [144, 1], strides = [1, 1]} : vector<144x64xf32> to vector<144x1xf32>
    %mul3A_263 = vector.broadcast %slice3A_262 : vector<144x1xf32> to vector<144x128xf32>
    %mul3A_264 = arith.mulf %mul3A_263, %dot_general3A_5 : vector<144x128xf32>
    %add3A_265 = arith.addf %dot_general3A_261, %mul3A_264 : vector<144x128xf32>
    %add3A_266 = arith.addf %add3A_265, %add3A : vector<144x128xf32>
    %swap3A_267 = arith.constant 15 : index
    %swap3A_268 = arith.constant 0 : index
    %swap3A_269 = arith.constant 0 : index
    %swap3A_270 = vector.load %arg8[%swap3A_267, %swap3A_268, %swap3A_269] : memref<64x144x128xf32, #tpu.memory_space<vmem>>, vector<1x144x128xf32>
    %swap3A_271 = vector.shape_cast %swap3A_270 : vector<1x144x128xf32> to vector<144x128xf32>
    %swap3A_272 = vector.shape_cast %add3A_266 : vector<144x128xf32> to vector<1x144x128xf32>
    tpu.vector_store %arg8[%swap3A_267, %swap3A_268, %swap3A_269], %swap3A_272 {strides = array<i32>} : memref<64x144x128xf32, #tpu.memory_space<vmem>>, vector<1x144x128xf32>,
    %get3A_273 = arith.constant 768 : index
    %get3A_274 = arith.constant 0 : index
    %get3A_275 = vector.load %arg2[%get3A_273, %get3A_274] : memref<3072x128xf32, #tpu.memory_space<vmem>>, vector<48x128xf32>
    %dot_general3A_276 = arith.constant dense<0.000000e+00> : vector<144x128xf32>
    %dot_general3A_277 = tpu.matmul %get3A_16, %get3A_275, %dot_general3A_276 {dimension_numbers = #tpu.dot_dimension_numbers<[1], [0], [0], [1], [0, 0, 1, 1], [], []>, transpose_lhs_hint = false} : vector<144x48xf32>, vector<48x128xf32>, vector<144x128xf32> -> vector<144x128xf32>
    %slice3A_278 = vector.extract_strided_slice %transpose3A {offsets = [0, 16], sizes = [144, 1], strides = [1, 1]} : vector<144x64xf32> to vector<144x1xf32>
    %mul3A_279 = vector.broadcast %slice3A_278 : vector<144x1xf32> to vector<144x128xf32>
    %mul3A_280 = arith.mulf %mul3A_279, %dot_general3A_5 : vector<144x128xf32>
    %add3A_281 = arith.addf %dot_general3A_277, %mul3A_280 : vector<144x128xf32>
    %add3A_282 = arith.addf %add3A_281, %add3A : vector<144x128xf32>
    %swap3A_283 = arith.constant 16 : index
    %swap3A_284 = arith.constant 0 : index
    %swap3A_285 = arith.constant 0 : index
    %swap3A_286 = vector.load %arg8[%swap3A_283, %swap3A_284, %swap3A_285] : memref<64x144x128xf32, #tpu.memory_space<vmem>>, vector<1x144x128xf32>
    %swap3A_287 = vector.shape_cast %swap3A_286 : vector<1x144x128xf32> to vector<144x128xf32>
    %swap3A_288 = vector.shape_cast %add3A_282 : vector<144x128xf32> to vector<1x144x128xf32>
    tpu.vector_store %arg8[%swap3A_283, %swap3A_284, %swap3A_285], %swap3A_288 {strides = array<i32>} : memref<64x144x128xf32, #tpu.memory_space<vmem>>, vector<1x144x128xf32>,
    %get3A_289 = arith.constant 816 : index
    %get3A_290 = arith.constant 0 : index
    %get3A_291 = vector.load %arg2[%get3A_289, %get3A_290] : memref<3072x128xf32, #tpu.memory_space<vmem>>, vector<48x128xf32>
    %dot_general3A_292 = arith.constant dense<0.000000e+00> : vector<144x128xf32>
    %dot_general3A_293 = tpu.matmul %get3A_16, %get3A_291, %dot_general3A_292 {dimension_numbers = #tpu.dot_dimension_numbers<[1], [0], [0], [1], [0, 0, 1, 1], [], []>, transpose_lhs_hint = false} : vector<144x48xf32>, vector<48x128xf32>, vector<144x128xf32> -> vector<144x128xf32>
    %slice3A_294 = vector.extract_strided_slice %transpose3A {offsets = [0, 17], sizes = [144, 1], strides = [1, 1]} : vector<144x64xf32> to vector<144x1xf32>
    %mul3A_295 = vector.broadcast %slice3A_294 : vector<144x1xf32> to vector<144x128xf32>
    %mul3A_296 = arith.mulf %mul3A_295, %dot_general3A_5 : vector<144x128xf32>
    %add3A_297 = arith.addf %dot_general3A_293, %mul3A_296 : vector<144x128xf32>
    %add3A_298 = arith.addf %add3A_297, %add3A : vector<144x128xf32>
    %swap3A_299 = arith.constant 17 : index
    %swap3A_300 = arith.constant 0 : index
    %swap3A_301 = arith.constant 0 : index
    %swap3A_302 = vector.load %arg8[%swap3A_299, %swap3A_300, %swap3A_301] : memref<64x144x128xf32, #tpu.memory_space<vmem>>, vector<1x144x128xf32>
    %swap3A_303 = vector.shape_cast %swap3A_302 : vector<1x144x128xf32> to vector<144x128xf32>
    %swap3A_304 = vector.shape_cast %add3A_298 : vector<144x128xf32> to vector<1x144x128xf32>
    tpu.vector_store %arg8[%swap3A_299, %swap3A_300, %swap3A_301], %swap3A_304 {strides = array<i32>} : memref<64x144x128xf32, #tpu.memory_space<vmem>>, vector<1x144x128xf32>,
    %get3A_305 = arith.constant 864 : index
    %get3A_306 = arith.constant 0 : index
    %get3A_307 = vector.load %arg2[%get3A_305, %get3A_306] : memref<3072x128xf32, #tpu.memory_space<vmem>>, vector<48x128xf32>
    %dot_general3A_308 = arith.constant dense<0.000000e+00> : vector<144x128xf32>
    %dot_general3A_309 = tpu.matmul %get3A_16, %get3A_307, %dot_general3A_308 {dimension_numbers = #tpu.dot_dimension_numbers<[1], [0], [0], [1], [0, 0, 1, 1], [], []>, transpose_lhs_hint = false} : vector<144x48xf32>, vector<48x128xf32>, vector<144x128xf32> -> vector<144x128xf32>
    %slice3A_310 = vector.extract_strided_slice %transpose3A {offsets = [0, 18], sizes = [144, 1], strides = [1, 1]} : vector<144x64xf32> to vector<144x1xf32>
    %mul3A_311 = vector.broadcast %slice3A_310 : vector<144x1xf32> to vector<144x128xf32>
    %mul3A_312 = arith.mulf %mul3A_311, %dot_general3A_5 : vector<144x128xf32>
    %add3A_313 = arith.addf %dot_general3A_309, %mul3A_312 : vector<144x128xf32>
    %add3A_314 = arith.addf %add3A_313, %add3A : vector<144x128xf32>
    %swap3A_315 = arith.constant 18 : index
    %swap3A_316 = arith.constant 0 : index
    %swap3A_317 = arith.constant 0 : index
    %swap3A_318 = vector.load %arg8[%swap3A_315, %swap3A_316, %swap3A_317] : memref<64x144x128xf32, #tpu.memory_space<vmem>>, vector<1x144x128xf32>
    %swap3A_319 = vector.shape_cast %swap3A_318 : vector<1x144x128xf32> to vector<144x128xf32>
    %swap3A_320 = vector.shape_cast %add3A_314 : vector<144x128xf32> to vector<1x144x128xf32>
    tpu.vector_store %arg8[%swap3A_315, %swap3A_316, %swap3A_317], %swap3A_320 {strides = array<i32>} : memref<64x144x128xf32, #tpu.memory_space<vmem>>, vector<1x144x128xf32>,
    %get3A_321 = arith.constant 912 : index
    %get3A_322 = arith.constant 0 : index
    %get3A_323 = vector.load %arg2[%get3A_321, %get3A_322] : memref<3072x128xf32, #tpu.memory_space<vmem>>, vector<48x128xf32>
    %dot_general3A_324 = arith.constant dense<0.000000e+00> : vector<144x128xf32>
    %dot_general3A_325 = tpu.matmul %get3A_16, %get3A_323, %dot_general3A_324 {dimension_numbers = #tpu.dot_dimension_numbers<[1], [0], [0], [1], [0, 0, 1, 1], [], []>, transpose_lhs_hint = false} : vector<144x48xf32>, vector<48x128xf32>, vector<144x128xf32> -> vector<144x128xf32>
    %slice3A_326 = vector.extract_strided_slice %transpose3A {offsets = [0, 19], sizes = [144, 1], strides = [1, 1]} : vector<144x64xf32> to vector<144x1xf32>
    %mul3A_327 = vector.broadcast %slice3A_326 : vector<144x1xf32> to vector<144x128xf32>
    %mul3A_328 = arith.mulf %mul3A_327, %dot_general3A_5 : vector<144x128xf32>
    %add3A_329 = arith.addf %dot_general3A_325, %mul3A_328 : vector<144x128xf32>
    %add3A_330 = arith.addf %add3A_329, %add3A : vector<144x128xf32>
    %swap3A_331 = arith.constant 19 : index
    %swap3A_332 = arith.constant 0 : index
    %swap3A_333 = arith.constant 0 : index
    %swap3A_334 = vector.load %arg8[%swap3A_331, %swap3A_332, %swap3A_333] : memref<64x144x128xf32, #tpu.memory_space<vmem>>, vector<1x144x128xf32>
    %swap3A_335 = vector.shape_cast %swap3A_334 : vector<1x144x128xf32> to vector<144x128xf32>
    %swap3A_336 = vector.shape_cast %add3A_330 : vector<144x128xf32> to vector<1x144x128xf32>
    tpu.vector_store %arg8[%swap3A_331, %swap3A_332, %swap3A_333], %swap3A_336 {strides = array<i32>} : memref<64x144x128xf32, #tpu.memory_space<vmem>>, vector<1x144x128xf32>,
    %get3A_337 = arith.constant 960 : index
    %get3A_338 = arith.constant 0 : index
    %get3A_339 = vector.load %arg2[%get3A_337, %get3A_338] : memref<3072x128xf32, #tpu.memory_space<vmem>>, vector<48x128xf32>
    %dot_general3A_340 = arith.constant dense<0.000000e+00> : vector<144x128xf32>
    %dot_general3A_341 = tpu.matmul %get3A_16, %get3A_339, %dot_general3A_340 {dimension_numbers = #tpu.dot_dimension_numbers<[1], [0], [0], [1], [0, 0, 1, 1], [], []>, transpose_lhs_hint = false} : vector<144x48xf32>, vector<48x128xf32>, vector<144x128xf32> -> vector<144x128xf32>
    %slice3A_342 = vector.extract_strided_slice %transpose3A {offsets = [0, 20], sizes = [144, 1], strides = [1, 1]} : vector<144x64xf32> to vector<144x1xf32>
    %mul3A_343 = vector.broadcast %slice3A_342 : vector<144x1xf32> to vector<144x128xf32>
    %mul3A_344 = arith.mulf %mul3A_343, %dot_general3A_5 : vector<144x128xf32>
    %add3A_345 = arith.addf %dot_general3A_341, %mul3A_344 : vector<144x128xf32>
    %add3A_346 = arith.addf %add3A_345, %add3A : vector<144x128xf32>
    %swap3A_347 = arith.constant 20 : index
    %swap3A_348 = arith.constant 0 : index
    %swap3A_349 = arith.constant 0 : index
    %swap3A_350 = vector.load %arg8[%swap3A_347, %swap3A_348, %swap3A_349] : memref<64x144x128xf32, #tpu.memory_space<vmem>>, vector<1x144x128xf32>
    %swap3A_351 = vector.shape_cast %swap3A_350 : vector<1x144x128xf32> to vector<144x128xf32>
    %swap3A_352 = vector.shape_cast %add3A_346 : vector<144x128xf32> to vector<1x144x128xf32>
    tpu.vector_store %arg8[%swap3A_347, %swap3A_348, %swap3A_349], %swap3A_352 {strides = array<i32>} : memref<64x144x128xf32, #tpu.memory_space<vmem>>, vector<1x144x128xf32>,
    %get3A_353 = arith.constant 1008 : index
    %get3A_354 = arith.constant 0 : index
    %get3A_355 = vector.load %arg2[%get3A_353, %get3A_354] : memref<3072x128xf32, #tpu.memory_space<vmem>>, vector<48x128xf32>
    %dot_general3A_356 = arith.constant dense<0.000000e+00> : vector<144x128xf32>
    %dot_general3A_357 = tpu.matmul %get3A_16, %get3A_355, %dot_general3A_356 {dimension_numbers = #tpu.dot_dimension_numbers<[1], [0], [0], [1], [0, 0, 1, 1], [], []>, transpose_lhs_hint = false} : vector<144x48xf32>, vector<48x128xf32>, vector<144x128xf32> -> vector<144x128xf32>
    %slice3A_358 = vector.extract_strided_slice %transpose3A {offsets = [0, 21], sizes = [144, 1], strides = [1, 1]} : vector<144x64xf32> to vector<144x1xf32>
    %mul3A_359 = vector.broadcast %slice3A_358 : vector<144x1xf32> to vector<144x128xf32>
    %mul3A_360 = arith.mulf %mul3A_359, %dot_general3A_5 : vector<144x128xf32>
    %add3A_361 = arith.addf %dot_general3A_357, %mul3A_360 : vector<144x128xf32>
    %add3A_362 = arith.addf %add3A_361, %add3A : vector<144x128xf32>
    %swap3A_363 = arith.constant 21 : index
    %swap3A_364 = arith.constant 0 : index
    %swap3A_365 = arith.constant 0 : index
    %swap3A_366 = vector.load %arg8[%swap3A_363, %swap3A_364, %swap3A_365] : memref<64x144x128xf32, #tpu.memory_space<vmem>>, vector<1x144x128xf32>
    %swap3A_367 = vector.shape_cast %swap3A_366 : vector<1x144x128xf32> to vector<144x128xf32>
    %swap3A_368 = vector.shape_cast %add3A_362 : vector<144x128xf32> to vector<1x144x128xf32>
    tpu.vector_store %arg8[%swap3A_363, %swap3A_364, %swap3A_365], %swap3A_368 {strides = array<i32>} : memref<64x144x128xf32, #tpu.memory_space<vmem>>, vector<1x144x128xf32>,
    %get3A_369 = arith.constant 1056 : index
    %get3A_370 = arith.constant 0 : index
    %get3A_371 = vector.load %arg2[%get3A_369, %get3A_370] : memref<3072x128xf32, #tpu.memory_space<vmem>>, vector<48x128xf32>
    %dot_general3A_372 = arith.constant dense<0.000000e+00> : vector<144x128xf32>
    %dot_general3A_373 = tpu.matmul %get3A_16, %get3A_371, %dot_general3A_372 {dimension_numbers = #tpu.dot_dimension_numbers<[1], [0], [0], [1], [0, 0, 1, 1], [], []>, transpose_lhs_hint = false} : vector<144x48xf32>, vector<48x128xf32>, vector<144x128xf32> -> vector<144x128xf32>
    %slice3A_374 = vector.extract_strided_slice %transpose3A {offsets = [0, 22], sizes = [144, 1], strides = [1, 1]} : vector<144x64xf32> to vector<144x1xf32>
    %mul3A_375 = vector.broadcast %slice3A_374 : vector<144x1xf32> to vector<144x128xf32>
    %mul3A_376 = arith.mulf %mul3A_375, %dot_general3A_5 : vector<144x128xf32>
    %add3A_377 = arith.addf %dot_general3A_373, %mul3A_376 : vector<144x128xf32>
    %add3A_378 = arith.addf %add3A_377, %add3A : vector<144x128xf32>
    %swap3A_379 = arith.constant 22 : index
    %swap3A_380 = arith.constant 0 : index
    %swap3A_381 = arith.constant 0 : index
    %swap3A_382 = vector.load %arg8[%swap3A_379, %swap3A_380, %swap3A_381] : memref<64x144x128xf32, #tpu.memory_space<vmem>>, vector<1x144x128xf32>
    %swap3A_383 = vector.shape_cast %swap3A_382 : vector<1x144x128xf32> to vector<144x128xf32>
    %swap3A_384 = vector.shape_cast %add3A_378 : vector<144x128xf32> to vector<1x144x128xf32>
    tpu.vector_store %arg8[%swap3A_379, %swap3A_380, %swap3A_381], %swap3A_384 {strides = array<i32>} : memref<64x144x128xf32, #tpu.memory_space<vmem>>, vector<1x144x128xf32>,
    %get3A_385 = arith.constant 1104 : index
    %get3A_386 = arith.constant 0 : index
    %get3A_387 = vector.load %arg2[%get3A_385, %get3A_386] : memref<3072x128xf32, #tpu.memory_space<vmem>>, vector<48x128xf32>
    %dot_general3A_388 = arith.constant dense<0.000000e+00> : vector<144x128xf32>
    %dot_general3A_389 = tpu.matmul %get3A_16, %get3A_387, %dot_general3A_388 {dimension_numbers = #tpu.dot_dimension_numbers<[1], [0], [0], [1], [0, 0, 1, 1], [], []>, transpose_lhs_hint = false} : vector<144x48xf32>, vector<48x128xf32>, vector<144x128xf32> -> vector<144x128xf32>
    %slice3A_390 = vector.extract_strided_slice %transpose3A {offsets = [0, 23], sizes = [144, 1], strides = [1, 1]} : vector<144x64xf32> to vector<144x1xf32>
    %mul3A_391 = vector.broadcast %slice3A_390 : vector<144x1xf32> to vector<144x128xf32>
    %mul3A_392 = arith.mulf %mul3A_391, %dot_general3A_5 : vector<144x128xf32>
    %add3A_393 = arith.addf %dot_general3A_389, %mul3A_392 : vector<144x128xf32>
    %add3A_394 = arith.addf %add3A_393, %add3A : vector<144x128xf32>
    %swap3A_395 = arith.constant 23 : index
    %swap3A_396 = arith.constant 0 : index
    %swap3A_397 = arith.constant 0 : index
    %swap3A_398 = vector.load %arg8[%swap3A_395, %swap3A_396, %swap3A_397] : memref<64x144x128xf32, #tpu.memory_space<vmem>>, vector<1x144x128xf32>
    %swap3A_399 = vector.shape_cast %swap3A_398 : vector<1x144x128xf32> to vector<144x128xf32>
    %swap3A_400 = vector.shape_cast %add3A_394 : vector<144x128xf32> to vector<1x144x128xf32>
    tpu.vector_store %arg8[%swap3A_395, %swap3A_396, %swap3A_397], %swap3A_400 {strides = array<i32>} : memref<64x144x128xf32, #tpu.memory_space<vmem>>, vector<1x144x128xf32>,
    %get3A_401 = arith.constant 1152 : index
    %get3A_402 = arith.constant 0 : index
    %get3A_403 = vector.load %arg2[%get3A_401, %get3A_402] : memref<3072x128xf32, #tpu.memory_space<vmem>>, vector<48x128xf32>
    %dot_general3A_404 = arith.constant dense<0.000000e+00> : vector<144x128xf32>
    %dot_general3A_405 = tpu.matmul %get3A_16, %get3A_403, %dot_general3A_404 {dimension_numbers = #tpu.dot_dimension_numbers<[1], [0], [0], [1], [0, 0, 1, 1], [], []>, transpose_lhs_hint = false} : vector<144x48xf32>, vector<48x128xf32>, vector<144x128xf32> -> vector<144x128xf32>
    %slice3A_406 = vector.extract_strided_slice %transpose3A {offsets = [0, 24], sizes = [144, 1], strides = [1, 1]} : vector<144x64xf32> to vector<144x1xf32>
    %mul3A_407 = vector.broadcast %slice3A_406 : vector<144x1xf32> to vector<144x128xf32>
    %mul3A_408 = arith.mulf %mul3A_407, %dot_general3A_5 : vector<144x128xf32>
    %add3A_409 = arith.addf %dot_general3A_405, %mul3A_408 : vector<144x128xf32>
    %add3A_410 = arith.addf %add3A_409, %add3A : vector<144x128xf32>
    %swap3A_411 = arith.constant 24 : index
    %swap3A_412 = arith.constant 0 : index
    %swap3A_413 = arith.constant 0 : index
    %swap3A_414 = vector.load %arg8[%swap3A_411, %swap3A_412, %swap3A_413] : memref<64x144x128xf32, #tpu.memory_space<vmem>>, vector<1x144x128xf32>
    %swap3A_415 = vector.shape_cast %swap3A_414 : vector<1x144x128xf32> to vector<144x128xf32>
    %swap3A_416 = vector.shape_cast %add3A_410 : vector<144x128xf32> to vector<1x144x128xf32>
    tpu.vector_store %arg8[%swap3A_411, %swap3A_412, %swap3A_413], %swap3A_416 {strides = array<i32>} : memref<64x144x128xf32, #tpu.memory_space<vmem>>, vector<1x144x128xf32>,
    %get3A_417 = arith.constant 1200 : index
    %get3A_418 = arith.constant 0 : index
    %get3A_419 = vector.load %arg2[%get3A_417, %get3A_418] : memref<3072x128xf32, #tpu.memory_space<vmem>>, vector<48x128xf32>
    %dot_general3A_420 = arith.constant dense<0.000000e+00> : vector<144x128xf32>
    %dot_general3A_421 = tpu.matmul %get3A_16, %get3A_419, %dot_general3A_420 {dimension_numbers = #tpu.dot_dimension_numbers<[1], [0], [0], [1], [0, 0, 1, 1], [], []>, transpose_lhs_hint = false} : vector<144x48xf32>, vector<48x128xf32>, vector<144x128xf32> -> vector<144x128xf32>
    %slice3A_422 = vector.extract_strided_slice %transpose3A {offsets = [0, 25], sizes = [144, 1], strides = [1, 1]} : vector<144x64xf32> to vector<144x1xf32>
    %mul3A_423 = vector.broadcast %slice3A_422 : vector<144x1xf32> to vector<144x128xf32>
    %mul3A_424 = arith.mulf %mul3A_423, %dot_general3A_5 : vector<144x128xf32>
    %add3A_425 = arith.addf %dot_general3A_421, %mul3A_424 : vector<144x128xf32>
    %add3A_426 = arith.addf %add3A_425, %add3A : vector<144x128xf32>
    %swap3A_427 = arith.constant 25 : index
    %swap3A_428 = arith.constant 0 : index
    %swap3A_429 = arith.constant 0 : index
    %swap3A_430 = vector.load %arg8[%swap3A_427, %swap3A_428, %swap3A_429] : memref<64x144x128xf32, #tpu.memory_space<vmem>>, vector<1x144x128xf32>
    %swap3A_431 = vector.shape_cast %swap3A_430 : vector<1x144x128xf32> to vector<144x128xf32>
    %swap3A_432 = vector.shape_cast %add3A_426 : vector<144x128xf32> to vector<1x144x128xf32>
    tpu.vector_store %arg8[%swap3A_427, %swap3A_428, %swap3A_429], %swap3A_432 {strides = array<i32>} : memref<64x144x128xf32, #tpu.memory_space<vmem>>, vector<1x144x128xf32>,
    %get3A_433 = arith.constant 1248 : index
    %get3A_434 = arith.constant 0 : index
    %get3A_435 = vector.load %arg2[%get3A_433, %get3A_434] : memref<3072x128xf32, #tpu.memory_space<vmem>>, vector<48x128xf32>
    %dot_general3A_436 = arith.constant dense<0.000000e+00> : vector<144x128xf32>
    %dot_general3A_437 = tpu.matmul %get3A_16, %get3A_435, %dot_general3A_436 {dimension_numbers = #tpu.dot_dimension_numbers<[1], [0], [0], [1], [0, 0, 1, 1], [], []>, transpose_lhs_hint = false} : vector<144x48xf32>, vector<48x128xf32>, vector<144x128xf32> -> vector<144x128xf32>
    %slice3A_438 = vector.extract_strided_slice %transpose3A {offsets = [0, 26], sizes = [144, 1], strides = [1, 1]} : vector<144x64xf32> to vector<144x1xf32>
    %mul3A_439 = vector.broadcast %slice3A_438 : vector<144x1xf32> to vector<144x128xf32>
    %mul3A_440 = arith.mulf %mul3A_439, %dot_general3A_5 : vector<144x128xf32>
    %add3A_441 = arith.addf %dot_general3A_437, %mul3A_440 : vector<144x128xf32>
    %add3A_442 = arith.addf %add3A_441, %add3A : vector<144x128xf32>
    %swap3A_443 = arith.constant 26 : index
    %swap3A_444 = arith.constant 0 : index
    %swap3A_445 = arith.constant 0 : index
    %swap3A_446 = vector.load %arg8[%swap3A_443, %swap3A_444, %swap3A_445] : memref<64x144x128xf32, #tpu.memory_space<vmem>>, vector<1x144x128xf32>
    %swap3A_447 = vector.shape_cast %swap3A_446 : vector<1x144x128xf32> to vector<144x128xf32>
    %swap3A_448 = vector.shape_cast %add3A_442 : vector<144x128xf32> to vector<1x144x128xf32>
    tpu.vector_store %arg8[%swap3A_443, %swap3A_444, %swap3A_445], %swap3A_448 {strides = array<i32>} : memref<64x144x128xf32, #tpu.memory_space<vmem>>, vector<1x144x128xf32>,
    %get3A_449 = arith.constant 1296 : index
    %get3A_450 = arith.constant 0 : index
    %get3A_451 = vector.load %arg2[%get3A_449, %get3A_450] : memref<3072x128xf32, #tpu.memory_space<vmem>>, vector<48x128xf32>
    %dot_general3A_452 = arith.constant dense<0.000000e+00> : vector<144x128xf32>
    %dot_general3A_453 = tpu.matmul %get3A_16, %get3A_451, %dot_general3A_452 {dimension_numbers = #tpu.dot_dimension_numbers<[1], [0], [0], [1], [0, 0, 1, 1], [], []>, transpose_lhs_hint = false} : vector<144x48xf32>, vector<48x128xf32>, vector<144x128xf32> -> vector<144x128xf32>
    %slice3A_454 = vector.extract_strided_slice %transpose3A {offsets = [0, 27], sizes = [144, 1], strides = [1, 1]} : vector<144x64xf32> to vector<144x1xf32>
    %mul3A_455 = vector.broadcast %slice3A_454 : vector<144x1xf32> to vector<144x128xf32>
    %mul3A_456 = arith.mulf %mul3A_455, %dot_general3A_5 : vector<144x128xf32>
    %add3A_457 = arith.addf %dot_general3A_453, %mul3A_456 : vector<144x128xf32>
    %add3A_458 = arith.addf %add3A_457, %add3A : vector<144x128xf32>
    %swap3A_459 = arith.constant 27 : index
    %swap3A_460 = arith.constant 0 : index
    %swap3A_461 = arith.constant 0 : index
    %swap3A_462 = vector.load %arg8[%swap3A_459, %swap3A_460, %swap3A_461] : memref<64x144x128xf32, #tpu.memory_space<vmem>>, vector<1x144x128xf32>
    %swap3A_463 = vector.shape_cast %swap3A_462 : vector<1x144x128xf32> to vector<144x128xf32>
    %swap3A_464 = vector.shape_cast %add3A_458 : vector<144x128xf32> to vector<1x144x128xf32>
    tpu.vector_store %arg8[%swap3A_459, %swap3A_460, %swap3A_461], %swap3A_464 {strides = array<i32>} : memref<64x144x128xf32, #tpu.memory_space<vmem>>, vector<1x144x128xf32>,
    %get3A_465 = arith.constant 1344 : index
    %get3A_466 = arith.constant 0 : index
    %get3A_467 = vector.load %arg2[%get3A_465, %get3A_466] : memref<3072x128xf32, #tpu.memory_space<vmem>>, vector<48x128xf32>
    %dot_general3A_468 = arith.constant dense<0.000000e+00> : vector<144x128xf32>
    %dot_general3A_469 = tpu.matmul %get3A_16, %get3A_467, %dot_general3A_468 {dimension_numbers = #tpu.dot_dimension_numbers<[1], [0], [0], [1], [0, 0, 1, 1], [], []>, transpose_lhs_hint = false} : vector<144x48xf32>, vector<48x128xf32>, vector<144x128xf32> -> vector<144x128xf32>
    %slice3A_470 = vector.extract_strided_slice %transpose3A {offsets = [0, 28], sizes = [144, 1], strides = [1, 1]} : vector<144x64xf32> to vector<144x1xf32>
    %mul3A_471 = vector.broadcast %slice3A_470 : vector<144x1xf32> to vector<144x128xf32>
    %mul3A_472 = arith.mulf %mul3A_471, %dot_general3A_5 : vector<144x128xf32>
    %add3A_473 = arith.addf %dot_general3A_469, %mul3A_472 : vector<144x128xf32>
    %add3A_474 = arith.addf %add3A_473, %add3A : vector<144x128xf32>
    %swap3A_475 = arith.constant 28 : index
    %swap3A_476 = arith.constant 0 : index
    %swap3A_477 = arith.constant 0 : index
    %swap3A_478 = vector.load %arg8[%swap3A_475, %swap3A_476, %swap3A_477] : memref<64x144x128xf32, #tpu.memory_space<vmem>>, vector<1x144x128xf32>
    %swap3A_479 = vector.shape_cast %swap3A_478 : vector<1x144x128xf32> to vector<144x128xf32>
    %swap3A_480 = vector.shape_cast %add3A_474 : vector<144x128xf32> to vector<1x144x128xf32>
    tpu.vector_store %arg8[%swap3A_475, %swap3A_476, %swap3A_477], %swap3A_480 {strides = array<i32>} : memref<64x144x128xf32, #tpu.memory_space<vmem>>, vector<1x144x128xf32>,
    %get3A_481 = arith.constant 1392 : index
    %get3A_482 = arith.constant 0 : index
    %get3A_483 = vector.load %arg2[%get3A_481, %get3A_482] : memref<3072x128xf32, #tpu.memory_space<vmem>>, vector<48x128xf32>
    %dot_general3A_484 = arith.constant dense<0.000000e+00> : vector<144x128xf32>
    %dot_general3A_485 = tpu.matmul %get3A_16, %get3A_483, %dot_general3A_484 {dimension_numbers = #tpu.dot_dimension_numbers<[1], [0], [0], [1], [0, 0, 1, 1], [], []>, transpose_lhs_hint = false} : vector<144x48xf32>, vector<48x128xf32>, vector<144x128xf32> -> vector<144x128xf32>
    %slice3A_486 = vector.extract_strided_slice %transpose3A {offsets = [0, 29], sizes = [144, 1], strides = [1, 1]} : vector<144x64xf32> to vector<144x1xf32>
    %mul3A_487 = vector.broadcast %slice3A_486 : vector<144x1xf32> to vector<144x128xf32>
    %mul3A_488 = arith.mulf %mul3A_487, %dot_general3A_5 : vector<144x128xf32>
    %add3A_489 = arith.addf %dot_general3A_485, %mul3A_488 : vector<144x128xf32>
    %add3A_490 = arith.addf %add3A_489, %add3A : vector<144x128xf32>
    %swap3A_491 = arith.constant 29 : index
    %swap3A_492 = arith.constant 0 : index
    %swap3A_493 = arith.constant 0 : index
    %swap3A_494 = vector.load %arg8[%swap3A_491, %swap3A_492, %swap3A_493] : memref<64x144x128xf32, #tpu.memory_space<vmem>>, vector<1x144x128xf32>
    %swap3A_495 = vector.shape_cast %swap3A_494 : vector<1x144x128xf32> to vector<144x128xf32>
    %swap3A_496 = vector.shape_cast %add3A_490 : vector<144x128xf32> to vector<1x144x128xf32>
    tpu.vector_store %arg8[%swap3A_491, %swap3A_492, %swap3A_493], %swap3A_496 {strides = array<i32>} : memref<64x144x128xf32, #tpu.memory_space<vmem>>, vector<1x144x128xf32>,
    %get3A_497 = arith.constant 1440 : index
    %get3A_498 = arith.constant 0 : index
    %get3A_499 = vector.load %arg2[%get3A_497, %get3A_498] : memref<3072x128xf32, #tpu.memory_space<vmem>>, vector<48x128xf32>
    %dot_general3A_500 = arith.constant dense<0.000000e+00> : vector<144x128xf32>
    %dot_general3A_501 = tpu.matmul %get3A_16, %get3A_499, %dot_general3A_500 {dimension_numbers = #tpu.dot_dimension_numbers<[1], [0], [0], [1], [0, 0, 1, 1], [], []>, transpose_lhs_hint = false} : vector<144x48xf32>, vector<48x128xf32>, vector<144x128xf32> -> vector<144x128xf32>
    %slice3A_502 = vector.extract_strided_slice %transpose3A {offsets = [0, 30], sizes = [144, 1], strides = [1, 1]} : vector<144x64xf32> to vector<144x1xf32>
    %mul3A_503 = vector.broadcast %slice3A_502 : vector<144x1xf32> to vector<144x128xf32>
    %mul3A_504 = arith.mulf %mul3A_503, %dot_general3A_5 : vector<144x128xf32>
    %add3A_505 = arith.addf %dot_general3A_501, %mul3A_504 : vector<144x128xf32>
    %add3A_506 = arith.addf %add3A_505, %add3A : vector<144x128xf32>
    %swap3A_507 = arith.constant 30 : index
    %swap3A_508 = arith.constant 0 : index
    %swap3A_509 = arith.constant 0 : index
    %swap3A_510 = vector.load %arg8[%swap3A_507, %swap3A_508, %swap3A_509] : memref<64x144x128xf32, #tpu.memory_space<vmem>>, vector<1x144x128xf32>
    %swap3A_511 = vector.shape_cast %swap3A_510 : vector<1x144x128xf32> to vector<144x128xf32>
    %swap3A_512 = vector.shape_cast %add3A_506 : vector<144x128xf32> to vector<1x144x128xf32>
    tpu.vector_store %arg8[%swap3A_507, %swap3A_508, %swap3A_509], %swap3A_512 {strides = array<i32>} : memref<64x144x128xf32, #tpu.memory_space<vmem>>, vector<1x144x128xf32>,
    %get3A_513 = arith.constant 1488 : index
    %get3A_514 = arith.constant 0 : index
    %get3A_515 = vector.load %arg2[%get3A_513, %get3A_514] : memref<3072x128xf32, #tpu.memory_space<vmem>>, vector<48x128xf32>
    %dot_general3A_516 = arith.constant dense<0.000000e+00> : vector<144x128xf32>
    %dot_general3A_517 = tpu.matmul %get3A_16, %get3A_515, %dot_general3A_516 {dimension_numbers = #tpu.dot_dimension_numbers<[1], [0], [0], [1], [0, 0, 1, 1], [], []>, transpose_lhs_hint = false} : vector<144x48xf32>, vector<48x128xf32>, vector<144x128xf32> -> vector<144x128xf32>
    %slice3A_518 = vector.extract_strided_slice %transpose3A {offsets = [0, 31], sizes = [144, 1], strides = [1, 1]} : vector<144x64xf32> to vector<144x1xf32>
    %mul3A_519 = vector.broadcast %slice3A_518 : vector<144x1xf32> to vector<144x128xf32>
    %mul3A_520 = arith.mulf %mul3A_519, %dot_general3A_5 : vector<144x128xf32>
    %add3A_521 = arith.addf %dot_general3A_517, %mul3A_520 : vector<144x128xf32>
    %add3A_522 = arith.addf %add3A_521, %add3A : vector<144x128xf32>
    %swap3A_523 = arith.constant 31 : index
    %swap3A_524 = arith.constant 0 : index
    %swap3A_525 = arith.constant 0 : index
    %swap3A_526 = vector.load %arg8[%swap3A_523, %swap3A_524, %swap3A_525] : memref<64x144x128xf32, #tpu.memory_space<vmem>>, vector<1x144x128xf32>
    %swap3A_527 = vector.shape_cast %swap3A_526 : vector<1x144x128xf32> to vector<144x128xf32>
    %swap3A_528 = vector.shape_cast %add3A_522 : vector<144x128xf32> to vector<1x144x128xf32>
    tpu.vector_store %arg8[%swap3A_523, %swap3A_524, %swap3A_525], %swap3A_528 {strides = array<i32>} : memref<64x144x128xf32, #tpu.memory_space<vmem>>, vector<1x144x128xf32>,
    %get3A_529 = arith.constant 1536 : index
    %get3A_530 = arith.constant 0 : index
    %get3A_531 = vector.load %arg2[%get3A_529, %get3A_530] : memref<3072x128xf32, #tpu.memory_space<vmem>>, vector<48x128xf32>
    %dot_general3A_532 = arith.constant dense<0.000000e+00> : vector<144x128xf32>
    %dot_general3A_533 = tpu.matmul %get3A_16, %get3A_531, %dot_general3A_532 {dimension_numbers = #tpu.dot_dimension_numbers<[1], [0], [0], [1], [0, 0, 1, 1], [], []>, transpose_lhs_hint = false} : vector<144x48xf32>, vector<48x128xf32>, vector<144x128xf32> -> vector<144x128xf32>
    %slice3A_534 = vector.extract_strided_slice %transpose3A {offsets = [0, 32], sizes = [144, 1], strides = [1, 1]} : vector<144x64xf32> to vector<144x1xf32>
    %mul3A_535 = vector.broadcast %slice3A_534 : vector<144x1xf32> to vector<144x128xf32>
    %mul3A_536 = arith.mulf %mul3A_535, %dot_general3A_5 : vector<144x128xf32>
    %add3A_537 = arith.addf %dot_general3A_533, %mul3A_536 : vector<144x128xf32>
    %add3A_538 = arith.addf %add3A_537, %add3A : vector<144x128xf32>
    %swap3A_539 = arith.constant 32 : index
    %swap3A_540 = arith.constant 0 : index
    %swap3A_541 = arith.constant 0 : index
    %swap3A_542 = vector.load %arg8[%swap3A_539, %swap3A_540, %swap3A_541] : memref<64x144x128xf32, #tpu.memory_space<vmem>>, vector<1x144x128xf32>
    %swap3A_543 = vector.shape_cast %swap3A_542 : vector<1x144x128xf32> to vector<144x128xf32>
    %swap3A_544 = vector.shape_cast %add3A_538 : vector<144x128xf32> to vector<1x144x128xf32>
    tpu.vector_store %arg8[%swap3A_539, %swap3A_540, %swap3A_541], %swap3A_544 {strides = array<i32>} : memref<64x144x128xf32, #tpu.memory_space<vmem>>, vector<1x144x128xf32>,
    %get3A_545 = arith.constant 1584 : index
    %get3A_546 = arith.constant 0 : index
    %get3A_547 = vector.load %arg2[%get3A_545, %get3A_546] : memref<3072x128xf32, #tpu.memory_space<vmem>>, vector<48x128xf32>
    %dot_general3A_548 = arith.constant dense<0.000000e+00> : vector<144x128xf32>
    %dot_general3A_549 = tpu.matmul %get3A_16, %get3A_547, %dot_general3A_548 {dimension_numbers = #tpu.dot_dimension_numbers<[1], [0], [0], [1], [0, 0, 1, 1], [], []>, transpose_lhs_hint = false} : vector<144x48xf32>, vector<48x128xf32>, vector<144x128xf32> -> vector<144x128xf32>
    %slice3A_550 = vector.extract_strided_slice %transpose3A {offsets = [0, 33], sizes = [144, 1], strides = [1, 1]} : vector<144x64xf32> to vector<144x1xf32>
    %mul3A_551 = vector.broadcast %slice3A_550 : vector<144x1xf32> to vector<144x128xf32>
    %mul3A_552 = arith.mulf %mul3A_551, %dot_general3A_5 : vector<144x128xf32>
    %add3A_553 = arith.addf %dot_general3A_549, %mul3A_552 : vector<144x128xf32>
    %add3A_554 = arith.addf %add3A_553, %add3A : vector<144x128xf32>
    %swap3A_555 = arith.constant 33 : index
    %swap3A_556 = arith.constant 0 : index
    %swap3A_557 = arith.constant 0 : index
    %swap3A_558 = vector.load %arg8[%swap3A_555, %swap3A_556, %swap3A_557] : memref<64x144x128xf32, #tpu.memory_space<vmem>>, vector<1x144x128xf32>
    %swap3A_559 = vector.shape_cast %swap3A_558 : vector<1x144x128xf32> to vector<144x128xf32>
    %swap3A_560 = vector.shape_cast %add3A_554 : vector<144x128xf32> to vector<1x144x128xf32>
    tpu.vector_store %arg8[%swap3A_555, %swap3A_556, %swap3A_557], %swap3A_560 {strides = array<i32>} : memref<64x144x128xf32, #tpu.memory_space<vmem>>, vector<1x144x128xf32>,
    %get3A_561 = arith.constant 1632 : index
    %get3A_562 = arith.constant 0 : index
    %get3A_563 = vector.load %arg2[%get3A_561, %get3A_562] : memref<3072x128xf32, #tpu.memory_space<vmem>>, vector<48x128xf32>
    %dot_general3A_564 = arith.constant dense<0.000000e+00> : vector<144x128xf32>
    %dot_general3A_565 = tpu.matmul %get3A_16, %get3A_563, %dot_general3A_564 {dimension_numbers = #tpu.dot_dimension_numbers<[1], [0], [0], [1], [0, 0, 1, 1], [], []>, transpose_lhs_hint = false} : vector<144x48xf32>, vector<48x128xf32>, vector<144x128xf32> -> vector<144x128xf32>
    %slice3A_566 = vector.extract_strided_slice %transpose3A {offsets = [0, 34], sizes = [144, 1], strides = [1, 1]} : vector<144x64xf32> to vector<144x1xf32>
    %mul3A_567 = vector.broadcast %slice3A_566 : vector<144x1xf32> to vector<144x128xf32>
    %mul3A_568 = arith.mulf %mul3A_567, %dot_general3A_5 : vector<144x128xf32>
    %add3A_569 = arith.addf %dot_general3A_565, %mul3A_568 : vector<144x128xf32>
    %add3A_570 = arith.addf %add3A_569, %add3A : vector<144x128xf32>
    %swap3A_571 = arith.constant 34 : index
    %swap3A_572 = arith.constant 0 : index
    %swap3A_573 = arith.constant 0 : index
    %swap3A_574 = vector.load %arg8[%swap3A_571, %swap3A_572, %swap3A_573] : memref<64x144x128xf32, #tpu.memory_space<vmem>>, vector<1x144x128xf32>
    %swap3A_575 = vector.shape_cast %swap3A_574 : vector<1x144x128xf32> to vector<144x128xf32>
    %swap3A_576 = vector.shape_cast %add3A_570 : vector<144x128xf32> to vector<1x144x128xf32>
    tpu.vector_store %arg8[%swap3A_571, %swap3A_572, %swap3A_573], %swap3A_576 {strides = array<i32>} : memref<64x144x128xf32, #tpu.memory_space<vmem>>, vector<1x144x128xf32>,
    %get3A_577 = arith.constant 1680 : index
    %get3A_578 = arith.constant 0 : index
    %get3A_579 = vector.load %arg2[%get3A_577, %get3A_578] : memref<3072x128xf32, #tpu.memory_space<vmem>>, vector<48x128xf32>
    %dot_general3A_580 = arith.constant dense<0.000000e+00> : vector<144x128xf32>
    %dot_general3A_581 = tpu.matmul %get3A_16, %get3A_579, %dot_general3A_580 {dimension_numbers = #tpu.dot_dimension_numbers<[1], [0], [0], [1], [0, 0, 1, 1], [], []>, transpose_lhs_hint = false} : vector<144x48xf32>, vector<48x128xf32>, vector<144x128xf32> -> vector<144x128xf32>
    %slice3A_582 = vector.extract_strided_slice %transpose3A {offsets = [0, 35], sizes = [144, 1], strides = [1, 1]} : vector<144x64xf32> to vector<144x1xf32>
    %mul3A_583 = vector.broadcast %slice3A_582 : vector<144x1xf32> to vector<144x128xf32>
    %mul3A_584 = arith.mulf %mul3A_583, %dot_general3A_5 : vector<144x128xf32>
    %add3A_585 = arith.addf %dot_general3A_581, %mul3A_584 : vector<144x128xf32>
    %add3A_586 = arith.addf %add3A_585, %add3A : vector<144x128xf32>
    %swap3A_587 = arith.constant 35 : index
    %swap3A_588 = arith.constant 0 : index
    %swap3A_589 = arith.constant 0 : index
    %swap3A_590 = vector.load %arg8[%swap3A_587, %swap3A_588, %swap3A_589] : memref<64x144x128xf32, #tpu.memory_space<vmem>>, vector<1x144x128xf32>
    %swap3A_591 = vector.shape_cast %swap3A_590 : vector<1x144x128xf32> to vector<144x128xf32>
    %swap3A_592 = vector.shape_cast %add3A_586 : vector<144x128xf32> to vector<1x144x128xf32>
    tpu.vector_store %arg8[%swap3A_587, %swap3A_588, %swap3A_589], %swap3A_592 {strides = array<i32>} : memref<64x144x128xf32, #tpu.memory_space<vmem>>, vector<1x144x128xf32>,
    %get3A_593 = arith.constant 1728 : index
    %get3A_594 = arith.constant 0 : index
    %get3A_595 = vector.load %arg2[%get3A_593, %get3A_594] : memref<3072x128xf32, #tpu.memory_space<vmem>>, vector<48x128xf32>
    %dot_general3A_596 = arith.constant dense<0.000000e+00> : vector<144x128xf32>
    %dot_general3A_597 = tpu.matmul %get3A_16, %get3A_595, %dot_general3A_596 {dimension_numbers = #tpu.dot_dimension_numbers<[1], [0], [0], [1], [0, 0, 1, 1], [], []>, transpose_lhs_hint = false} : vector<144x48xf32>, vector<48x128xf32>, vector<144x128xf32> -> vector<144x128xf32>
    %slice3A_598 = vector.extract_strided_slice %transpose3A {offsets = [0, 36], sizes = [144, 1], strides = [1, 1]} : vector<144x64xf32> to vector<144x1xf32>
    %mul3A_599 = vector.broadcast %slice3A_598 : vector<144x1xf32> to vector<144x128xf32>
    %mul3A_600 = arith.mulf %mul3A_599, %dot_general3A_5 : vector<144x128xf32>
    %add3A_601 = arith.addf %dot_general3A_597, %mul3A_600 : vector<144x128xf32>
    %add3A_602 = arith.addf %add3A_601, %add3A : vector<144x128xf32>
    %swap3A_603 = arith.constant 36 : index
    %swap3A_604 = arith.constant 0 : index
    %swap3A_605 = arith.constant 0 : index
    %swap3A_606 = vector.load %arg8[%swap3A_603, %swap3A_604, %swap3A_605] : memref<64x144x128xf32, #tpu.memory_space<vmem>>, vector<1x144x128xf32>
    %swap3A_607 = vector.shape_cast %swap3A_606 : vector<1x144x128xf32> to vector<144x128xf32>
    %swap3A_608 = vector.shape_cast %add3A_602 : vector<144x128xf32> to vector<1x144x128xf32>
    tpu.vector_store %arg8[%swap3A_603, %swap3A_604, %swap3A_605], %swap3A_608 {strides = array<i32>} : memref<64x144x128xf32, #tpu.memory_space<vmem>>, vector<1x144x128xf32>,
    %get3A_609 = arith.constant 1776 : index
    %get3A_610 = arith.constant 0 : index
    %get3A_611 = vector.load %arg2[%get3A_609, %get3A_610] : memref<3072x128xf32, #tpu.memory_space<vmem>>, vector<48x128xf32>
    %dot_general3A_612 = arith.constant dense<0.000000e+00> : vector<144x128xf32>
    %dot_general3A_613 = tpu.matmul %get3A_16, %get3A_611, %dot_general3A_612 {dimension_numbers = #tpu.dot_dimension_numbers<[1], [0], [0], [1], [0, 0, 1, 1], [], []>, transpose_lhs_hint = false} : vector<144x48xf32>, vector<48x128xf32>, vector<144x128xf32> -> vector<144x128xf32>
    %slice3A_614 = vector.extract_strided_slice %transpose3A {offsets = [0, 37], sizes = [144, 1], strides = [1, 1]} : vector<144x64xf32> to vector<144x1xf32>
    %mul3A_615 = vector.broadcast %slice3A_614 : vector<144x1xf32> to vector<144x128xf32>
    %mul3A_616 = arith.mulf %mul3A_615, %dot_general3A_5 : vector<144x128xf32>
    %add3A_617 = arith.addf %dot_general3A_613, %mul3A_616 : vector<144x128xf32>
    %add3A_618 = arith.addf %add3A_617, %add3A : vector<144x128xf32>
    %swap3A_619 = arith.constant 37 : index
    %swap3A_620 = arith.constant 0 : index
    %swap3A_621 = arith.constant 0 : index
    %swap3A_622 = vector.load %arg8[%swap3A_619, %swap3A_620, %swap3A_621] : memref<64x144x128xf32, #tpu.memory_space<vmem>>, vector<1x144x128xf32>
    %swap3A_623 = vector.shape_cast %swap3A_622 : vector<1x144x128xf32> to vector<144x128xf32>
    %swap3A_624 = vector.shape_cast %add3A_618 : vector<144x128xf32> to vector<1x144x128xf32>
    tpu.vector_store %arg8[%swap3A_619, %swap3A_620, %swap3A_621], %swap3A_624 {strides = array<i32>} : memref<64x144x128xf32, #tpu.memory_space<vmem>>, vector<1x144x128xf32>,
    %get3A_625 = arith.constant 1824 : index
    %get3A_626 = arith.constant 0 : index
    %get3A_627 = vector.load %arg2[%get3A_625, %get3A_626] : memref<3072x128xf32, #tpu.memory_space<vmem>>, vector<48x128xf32>
    %dot_general3A_628 = arith.constant dense<0.000000e+00> : vector<144x128xf32>
    %dot_general3A_629 = tpu.matmul %get3A_16, %get3A_627, %dot_general3A_628 {dimension_numbers = #tpu.dot_dimension_numbers<[1], [0], [0], [1], [0, 0, 1, 1], [], []>, transpose_lhs_hint = false} : vector<144x48xf32>, vector<48x128xf32>, vector<144x128xf32> -> vector<144x128xf32>
    %slice3A_630 = vector.extract_strided_slice %transpose3A {offsets = [0, 38], sizes = [144, 1], strides = [1, 1]} : vector<144x64xf32> to vector<144x1xf32>
    %mul3A_631 = vector.broadcast %slice3A_630 : vector<144x1xf32> to vector<144x128xf32>
    %mul3A_632 = arith.mulf %mul3A_631, %dot_general3A_5 : vector<144x128xf32>
    %add3A_633 = arith.addf %dot_general3A_629, %mul3A_632 : vector<144x128xf32>
    %add3A_634 = arith.addf %add3A_633, %add3A : vector<144x128xf32>
    %swap3A_635 = arith.constant 38 : index
    %swap3A_636 = arith.constant 0 : index
    %swap3A_637 = arith.constant 0 : index
    %swap3A_638 = vector.load %arg8[%swap3A_635, %swap3A_636, %swap3A_637] : memref<64x144x128xf32, #tpu.memory_space<vmem>>, vector<1x144x128xf32>
    %swap3A_639 = vector.shape_cast %swap3A_638 : vector<1x144x128xf32> to vector<144x128xf32>
    %swap3A_640 = vector.shape_cast %add3A_634 : vector<144x128xf32> to vector<1x144x128xf32>
    tpu.vector_store %arg8[%swap3A_635, %swap3A_636, %swap3A_637], %swap3A_640 {strides = array<i32>} : memref<64x144x128xf32, #tpu.memory_space<vmem>>, vector<1x144x128xf32>,
    %get3A_641 = arith.constant 1872 : index
    %get3A_642 = arith.constant 0 : index
    %get3A_643 = vector.load %arg2[%get3A_641, %get3A_642] : memref<3072x128xf32, #tpu.memory_space<vmem>>, vector<48x128xf32>
    %dot_general3A_644 = arith.constant dense<0.000000e+00> : vector<144x128xf32>
    %dot_general3A_645 = tpu.matmul %get3A_16, %get3A_643, %dot_general3A_644 {dimension_numbers = #tpu.dot_dimension_numbers<[1], [0], [0], [1], [0, 0, 1, 1], [], []>, transpose_lhs_hint = false} : vector<144x48xf32>, vector<48x128xf32>, vector<144x128xf32> -> vector<144x128xf32>
    %slice3A_646 = vector.extract_strided_slice %transpose3A {offsets = [0, 39], sizes = [144, 1], strides = [1, 1]} : vector<144x64xf32> to vector<144x1xf32>
    %mul3A_647 = vector.broadcast %slice3A_646 : vector<144x1xf32> to vector<144x128xf32>
    %mul3A_648 = arith.mulf %mul3A_647, %dot_general3A_5 : vector<144x128xf32>
    %add3A_649 = arith.addf %dot_general3A_645, %mul3A_648 : vector<144x128xf32>
    %add3A_650 = arith.addf %add3A_649, %add3A : vector<144x128xf32>
    %swap3A_651 = arith.constant 39 : index
    %swap3A_652 = arith.constant 0 : index
    %swap3A_653 = arith.constant 0 : index
    %swap3A_654 = vector.load %arg8[%swap3A_651, %swap3A_652, %swap3A_653] : memref<64x144x128xf32, #tpu.memory_space<vmem>>, vector<1x144x128xf32>
    %swap3A_655 = vector.shape_cast %swap3A_654 : vector<1x144x128xf32> to vector<144x128xf32>
    %swap3A_656 = vector.shape_cast %add3A_650 : vector<144x128xf32> to vector<1x144x128xf32>
    tpu.vector_store %arg8[%swap3A_651, %swap3A_652, %swap3A_653], %swap3A_656 {strides = array<i32>} : memref<64x144x128xf32, #tpu.memory_space<vmem>>, vector<1x144x128xf32>,
    %get3A_657 = arith.constant 1920 : index
    %get3A_658 = arith.constant 0 : index
    %get3A_659 = vector.load %arg2[%get3A_657, %get3A_658] : memref<3072x128xf32, #tpu.memory_space<vmem>>, vector<48x128xf32>
    %dot_general3A_660 = arith.constant dense<0.000000e+00> : vector<144x128xf32>
    %dot_general3A_661 = tpu.matmul %get3A_16, %get3A_659, %dot_general3A_660 {dimension_numbers = #tpu.dot_dimension_numbers<[1], [0], [0], [1], [0, 0, 1, 1], [], []>, transpose_lhs_hint = false} : vector<144x48xf32>, vector<48x128xf32>, vector<144x128xf32> -> vector<144x128xf32>
    %slice3A_662 = vector.extract_strided_slice %transpose3A {offsets = [0, 40], sizes = [144, 1], strides = [1, 1]} : vector<144x64xf32> to vector<144x1xf32>
    %mul3A_663 = vector.broadcast %slice3A_662 : vector<144x1xf32> to vector<144x128xf32>
    %mul3A_664 = arith.mulf %mul3A_663, %dot_general3A_5 : vector<144x128xf32>
    %add3A_665 = arith.addf %dot_general3A_661, %mul3A_664 : vector<144x128xf32>
    %add3A_666 = arith.addf %add3A_665, %add3A : vector<144x128xf32>
    %swap3A_667 = arith.constant 40 : index
    %swap3A_668 = arith.constant 0 : index
    %swap3A_669 = arith.constant 0 : index
    %swap3A_670 = vector.load %arg8[%swap3A_667, %swap3A_668, %swap3A_669] : memref<64x144x128xf32, #tpu.memory_space<vmem>>, vector<1x144x128xf32>
    %swap3A_671 = vector.shape_cast %swap3A_670 : vector<1x144x128xf32> to vector<144x128xf32>
    %swap3A_672 = vector.shape_cast %add3A_666 : vector<144x128xf32> to vector<1x144x128xf32>
    tpu.vector_store %arg8[%swap3A_667, %swap3A_668, %swap3A_669], %swap3A_672 {strides = array<i32>} : memref<64x144x128xf32, #tpu.memory_space<vmem>>, vector<1x144x128xf32>,
    %get3A_673 = arith.constant 1968 : index
    %get3A_674 = arith.constant 0 : index
    %get3A_675 = vector.load %arg2[%get3A_673, %get3A_674] : memref<3072x128xf32, #tpu.memory_space<vmem>>, vector<48x128xf32>
    %dot_general3A_676 = arith.constant dense<0.000000e+00> : vector<144x128xf32>
    %dot_general3A_677 = tpu.matmul %get3A_16, %get3A_675, %dot_general3A_676 {dimension_numbers = #tpu.dot_dimension_numbers<[1], [0], [0], [1], [0, 0, 1, 1], [], []>, transpose_lhs_hint = false} : vector<144x48xf32>, vector<48x128xf32>, vector<144x128xf32> -> vector<144x128xf32>
    %slice3A_678 = vector.extract_strided_slice %transpose3A {offsets = [0, 41], sizes = [144, 1], strides = [1, 1]} : vector<144x64xf32> to vector<144x1xf32>
    %mul3A_679 = vector.broadcast %slice3A_678 : vector<144x1xf32> to vector<144x128xf32>
    %mul3A_680 = arith.mulf %mul3A_679, %dot_general3A_5 : vector<144x128xf32>
    %add3A_681 = arith.addf %dot_general3A_677, %mul3A_680 : vector<144x128xf32>
    %add3A_682 = arith.addf %add3A_681, %add3A : vector<144x128xf32>
    %swap3A_683 = arith.constant 41 : index
    %swap3A_684 = arith.constant 0 : index
    %swap3A_685 = arith.constant 0 : index
    %swap3A_686 = vector.load %arg8[%swap3A_683, %swap3A_684, %swap3A_685] : memref<64x144x128xf32, #tpu.memory_space<vmem>>, vector<1x144x128xf32>
    %swap3A_687 = vector.shape_cast %swap3A_686 : vector<1x144x128xf32> to vector<144x128xf32>
    %swap3A_688 = vector.shape_cast %add3A_682 : vector<144x128xf32> to vector<1x144x128xf32>
    tpu.vector_store %arg8[%swap3A_683, %swap3A_684, %swap3A_685], %swap3A_688 {strides = array<i32>} : memref<64x144x128xf32, #tpu.memory_space<vmem>>, vector<1x144x128xf32>,
    %get3A_689 = arith.constant 2016 : index
    %get3A_690 = arith.constant 0 : index
    %get3A_691 = vector.load %arg2[%get3A_689, %get3A_690] : memref<3072x128xf32, #tpu.memory_space<vmem>>, vector<48x128xf32>
    %dot_general3A_692 = arith.constant dense<0.000000e+00> : vector<144x128xf32>
    %dot_general3A_693 = tpu.matmul %get3A_16, %get3A_691, %dot_general3A_692 {dimension_numbers = #tpu.dot_dimension_numbers<[1], [0], [0], [1], [0, 0, 1, 1], [], []>, transpose_lhs_hint = false} : vector<144x48xf32>, vector<48x128xf32>, vector<144x128xf32> -> vector<144x128xf32>
    %slice3A_694 = vector.extract_strided_slice %transpose3A {offsets = [0, 42], sizes = [144, 1], strides = [1, 1]} : vector<144x64xf32> to vector<144x1xf32>
    %mul3A_695 = vector.broadcast %slice3A_694 : vector<144x1xf32> to vector<144x128xf32>
    %mul3A_696 = arith.mulf %mul3A_695, %dot_general3A_5 : vector<144x128xf32>
    %add3A_697 = arith.addf %dot_general3A_693, %mul3A_696 : vector<144x128xf32>
    %add3A_698 = arith.addf %add3A_697, %add3A : vector<144x128xf32>
    %swap3A_699 = arith.constant 42 : index
    %swap3A_700 = arith.constant 0 : index
    %swap3A_701 = arith.constant 0 : index
    %swap3A_702 = vector.load %arg8[%swap3A_699, %swap3A_700, %swap3A_701] : memref<64x144x128xf32, #tpu.memory_space<vmem>>, vector<1x144x128xf32>
    %swap3A_703 = vector.shape_cast %swap3A_702 : vector<1x144x128xf32> to vector<144x128xf32>
    %swap3A_704 = vector.shape_cast %add3A_698 : vector<144x128xf32> to vector<1x144x128xf32>
    tpu.vector_store %arg8[%swap3A_699, %swap3A_700, %swap3A_701], %swap3A_704 {strides = array<i32>} : memref<64x144x128xf32, #tpu.memory_space<vmem>>, vector<1x144x128xf32>,
    %get3A_705 = arith.constant 2064 : index
    %get3A_706 = arith.constant 0 : index
    %get3A_707 = vector.load %arg2[%get3A_705, %get3A_706] : memref<3072x128xf32, #tpu.memory_space<vmem>>, vector<48x128xf32>
    %dot_general3A_708 = arith.constant dense<0.000000e+00> : vector<144x128xf32>
    %dot_general3A_709 = tpu.matmul %get3A_16, %get3A_707, %dot_general3A_708 {dimension_numbers = #tpu.dot_dimension_numbers<[1], [0], [0], [1], [0, 0, 1, 1], [], []>, transpose_lhs_hint = false} : vector<144x48xf32>, vector<48x128xf32>, vector<144x128xf32> -> vector<144x128xf32>
    %slice3A_710 = vector.extract_strided_slice %transpose3A {offsets = [0, 43], sizes = [144, 1], strides = [1, 1]} : vector<144x64xf32> to vector<144x1xf32>
    %mul3A_711 = vector.broadcast %slice3A_710 : vector<144x1xf32> to vector<144x128xf32>
    %mul3A_712 = arith.mulf %mul3A_711, %dot_general3A_5 : vector<144x128xf32>
    %add3A_713 = arith.addf %dot_general3A_709, %mul3A_712 : vector<144x128xf32>
    %add3A_714 = arith.addf %add3A_713, %add3A : vector<144x128xf32>
    %swap3A_715 = arith.constant 43 : index
    %swap3A_716 = arith.constant 0 : index
    %swap3A_717 = arith.constant 0 : index
    %swap3A_718 = vector.load %arg8[%swap3A_715, %swap3A_716, %swap3A_717] : memref<64x144x128xf32, #tpu.memory_space<vmem>>, vector<1x144x128xf32>
    %swap3A_719 = vector.shape_cast %swap3A_718 : vector<1x144x128xf32> to vector<144x128xf32>
    %swap3A_720 = vector.shape_cast %add3A_714 : vector<144x128xf32> to vector<1x144x128xf32>
    tpu.vector_store %arg8[%swap3A_715, %swap3A_716, %swap3A_717], %swap3A_720 {strides = array<i32>} : memref<64x144x128xf32, #tpu.memory_space<vmem>>, vector<1x144x128xf32>,
    %get3A_721 = arith.constant 2112 : index
    %get3A_722 = arith.constant 0 : index
    %get3A_723 = vector.load %arg2[%get3A_721, %get3A_722] : memref<3072x128xf32, #tpu.memory_space<vmem>>, vector<48x128xf32>
    %dot_general3A_724 = arith.constant dense<0.000000e+00> : vector<144x128xf32>
    %dot_general3A_725 = tpu.matmul %get3A_16, %get3A_723, %dot_general3A_724 {dimension_numbers = #tpu.dot_dimension_numbers<[1], [0], [0], [1], [0, 0, 1, 1], [], []>, transpose_lhs_hint = false} : vector<144x48xf32>, vector<48x128xf32>, vector<144x128xf32> -> vector<144x128xf32>
    %slice3A_726 = vector.extract_strided_slice %transpose3A {offsets = [0, 44], sizes = [144, 1], strides = [1, 1]} : vector<144x64xf32> to vector<144x1xf32>
    %mul3A_727 = vector.broadcast %slice3A_726 : vector<144x1xf32> to vector<144x128xf32>
    %mul3A_728 = arith.mulf %mul3A_727, %dot_general3A_5 : vector<144x128xf32>
    %add3A_729 = arith.addf %dot_general3A_725, %mul3A_728 : vector<144x128xf32>
    %add3A_730 = arith.addf %add3A_729, %add3A : vector<144x128xf32>
    %swap3A_731 = arith.constant 44 : index
    %swap3A_732 = arith.constant 0 : index
    %swap3A_733 = arith.constant 0 : index
    %swap3A_734 = vector.load %arg8[%swap3A_731, %swap3A_732, %swap3A_733] : memref<64x144x128xf32, #tpu.memory_space<vmem>>, vector<1x144x128xf32>
    %swap3A_735 = vector.shape_cast %swap3A_734 : vector<1x144x128xf32> to vector<144x128xf32>
    %swap3A_736 = vector.shape_cast %add3A_730 : vector<144x128xf32> to vector<1x144x128xf32>
    tpu.vector_store %arg8[%swap3A_731, %swap3A_732, %swap3A_733], %swap3A_736 {strides = array<i32>} : memref<64x144x128xf32, #tpu.memory_space<vmem>>, vector<1x144x128xf32>,
    %get3A_737 = arith.constant 2160 : index
    %get3A_738 = arith.constant 0 : index
    %get3A_739 = vector.load %arg2[%get3A_737, %get3A_738] : memref<3072x128xf32, #tpu.memory_space<vmem>>, vector<48x128xf32>
    %dot_general3A_740 = arith.constant dense<0.000000e+00> : vector<144x128xf32>
    %dot_general3A_741 = tpu.matmul %get3A_16, %get3A_739, %dot_general3A_740 {dimension_numbers = #tpu.dot_dimension_numbers<[1], [0], [0], [1], [0, 0, 1, 1], [], []>, transpose_lhs_hint = false} : vector<144x48xf32>, vector<48x128xf32>, vector<144x128xf32> -> vector<144x128xf32>
    %slice3A_742 = vector.extract_strided_slice %transpose3A {offsets = [0, 45], sizes = [144, 1], strides = [1, 1]} : vector<144x64xf32> to vector<144x1xf32>
    %mul3A_743 = vector.broadcast %slice3A_742 : vector<144x1xf32> to vector<144x128xf32>
    %mul3A_744 = arith.mulf %mul3A_743, %dot_general3A_5 : vector<144x128xf32>
    %add3A_745 = arith.addf %dot_general3A_741, %mul3A_744 : vector<144x128xf32>
    %add3A_746 = arith.addf %add3A_745, %add3A : vector<144x128xf32>
    %swap3A_747 = arith.constant 45 : index
    %swap3A_748 = arith.constant 0 : index
    %swap3A_749 = arith.constant 0 : index
    %swap3A_750 = vector.load %arg8[%swap3A_747, %swap3A_748, %swap3A_749] : memref<64x144x128xf32, #tpu.memory_space<vmem>>, vector<1x144x128xf32>
    %swap3A_751 = vector.shape_cast %swap3A_750 : vector<1x144x128xf32> to vector<144x128xf32>
    %swap3A_752 = vector.shape_cast %add3A_746 : vector<144x128xf32> to vector<1x144x128xf32>
    tpu.vector_store %arg8[%swap3A_747, %swap3A_748, %swap3A_749], %swap3A_752 {strides = array<i32>} : memref<64x144x128xf32, #tpu.memory_space<vmem>>, vector<1x144x128xf32>,
    %get3A_753 = arith.constant 2208 : index
    %get3A_754 = arith.constant 0 : index
    %get3A_755 = vector.load %arg2[%get3A_753, %get3A_754] : memref<3072x128xf32, #tpu.memory_space<vmem>>, vector<48x128xf32>
    %dot_general3A_756 = arith.constant dense<0.000000e+00> : vector<144x128xf32>
    %dot_general3A_757 = tpu.matmul %get3A_16, %get3A_755, %dot_general3A_756 {dimension_numbers = #tpu.dot_dimension_numbers<[1], [0], [0], [1], [0, 0, 1, 1], [], []>, transpose_lhs_hint = false} : vector<144x48xf32>, vector<48x128xf32>, vector<144x128xf32> -> vector<144x128xf32>
    %slice3A_758 = vector.extract_strided_slice %transpose3A {offsets = [0, 46], sizes = [144, 1], strides = [1, 1]} : vector<144x64xf32> to vector<144x1xf32>
    %mul3A_759 = vector.broadcast %slice3A_758 : vector<144x1xf32> to vector<144x128xf32>
    %mul3A_760 = arith.mulf %mul3A_759, %dot_general3A_5 : vector<144x128xf32>
    %add3A_761 = arith.addf %dot_general3A_757, %mul3A_760 : vector<144x128xf32>
    %add3A_762 = arith.addf %add3A_761, %add3A : vector<144x128xf32>
    %swap3A_763 = arith.constant 46 : index
    %swap3A_764 = arith.constant 0 : index
    %swap3A_765 = arith.constant 0 : index
    %swap3A_766 = vector.load %arg8[%swap3A_763, %swap3A_764, %swap3A_765] : memref<64x144x128xf32, #tpu.memory_space<vmem>>, vector<1x144x128xf32>
    %swap3A_767 = vector.shape_cast %swap3A_766 : vector<1x144x128xf32> to vector<144x128xf32>
    %swap3A_768 = vector.shape_cast %add3A_762 : vector<144x128xf32> to vector<1x144x128xf32>
    tpu.vector_store %arg8[%swap3A_763, %swap3A_764, %swap3A_765], %swap3A_768 {strides = array<i32>} : memref<64x144x128xf32, #tpu.memory_space<vmem>>, vector<1x144x128xf32>,
    %get3A_769 = arith.constant 2256 : index
    %get3A_770 = arith.constant 0 : index
    %get3A_771 = vector.load %arg2[%get3A_769, %get3A_770] : memref<3072x128xf32, #tpu.memory_space<vmem>>, vector<48x128xf32>
    %dot_general3A_772 = arith.constant dense<0.000000e+00> : vector<144x128xf32>
    %dot_general3A_773 = tpu.matmul %get3A_16, %get3A_771, %dot_general3A_772 {dimension_numbers = #tpu.dot_dimension_numbers<[1], [0], [0], [1], [0, 0, 1, 1], [], []>, transpose_lhs_hint = false} : vector<144x48xf32>, vector<48x128xf32>, vector<144x128xf32> -> vector<144x128xf32>
    %slice3A_774 = vector.extract_strided_slice %transpose3A {offsets = [0, 47], sizes = [144, 1], strides = [1, 1]} : vector<144x64xf32> to vector<144x1xf32>
    %mul3A_775 = vector.broadcast %slice3A_774 : vector<144x1xf32> to vector<144x128xf32>
    %mul3A_776 = arith.mulf %mul3A_775, %dot_general3A_5 : vector<144x128xf32>
    %add3A_777 = arith.addf %dot_general3A_773, %mul3A_776 : vector<144x128xf32>
    %add3A_778 = arith.addf %add3A_777, %add3A : vector<144x128xf32>
    %swap3A_779 = arith.constant 47 : index
    %swap3A_780 = arith.constant 0 : index
    %swap3A_781 = arith.constant 0 : index
    %swap3A_782 = vector.load %arg8[%swap3A_779, %swap3A_780, %swap3A_781] : memref<64x144x128xf32, #tpu.memory_space<vmem>>, vector<1x144x128xf32>
    %swap3A_783 = vector.shape_cast %swap3A_782 : vector<1x144x128xf32> to vector<144x128xf32>
    %swap3A_784 = vector.shape_cast %add3A_778 : vector<144x128xf32> to vector<1x144x128xf32>
    tpu.vector_store %arg8[%swap3A_779, %swap3A_780, %swap3A_781], %swap3A_784 {strides = array<i32>} : memref<64x144x128xf32, #tpu.memory_space<vmem>>, vector<1x144x128xf32>,
    %get3A_785 = arith.constant 2304 : index
    %get3A_786 = arith.constant 0 : index
    %get3A_787 = vector.load %arg2[%get3A_785, %get3A_786] : memref<3072x128xf32, #tpu.memory_space<vmem>>, vector<48x128xf32>
    %dot_general3A_788 = arith.constant dense<0.000000e+00> : vector<144x128xf32>
    %dot_general3A_789 = tpu.matmul %get3A_16, %get3A_787, %dot_general3A_788 {dimension_numbers = #tpu.dot_dimension_numbers<[1], [0], [0], [1], [0, 0, 1, 1], [], []>, transpose_lhs_hint = false} : vector<144x48xf32>, vector<48x128xf32>, vector<144x128xf32> -> vector<144x128xf32>
    %slice3A_790 = vector.extract_strided_slice %transpose3A {offsets = [0, 48], sizes = [144, 1], strides = [1, 1]} : vector<144x64xf32> to vector<144x1xf32>
    %mul3A_791 = vector.broadcast %slice3A_790 : vector<144x1xf32> to vector<144x128xf32>
    %mul3A_792 = arith.mulf %mul3A_791, %dot_general3A_5 : vector<144x128xf32>
    %add3A_793 = arith.addf %dot_general3A_789, %mul3A_792 : vector<144x128xf32>
    %add3A_794 = arith.addf %add3A_793, %add3A : vector<144x128xf32>
    %swap3A_795 = arith.constant 48 : index
    %swap3A_796 = arith.constant 0 : index
    %swap3A_797 = arith.constant 0 : index
    %swap3A_798 = vector.load %arg8[%swap3A_795, %swap3A_796, %swap3A_797] : memref<64x144x128xf32, #tpu.memory_space<vmem>>, vector<1x144x128xf32>
    %swap3A_799 = vector.shape_cast %swap3A_798 : vector<1x144x128xf32> to vector<144x128xf32>
    %swap3A_800 = vector.shape_cast %add3A_794 : vector<144x128xf32> to vector<1x144x128xf32>
    tpu.vector_store %arg8[%swap3A_795, %swap3A_796, %swap3A_797], %swap3A_800 {strides = array<i32>} : memref<64x144x128xf32, #tpu.memory_space<vmem>>, vector<1x144x128xf32>,
    %get3A_801 = arith.constant 2352 : index
    %get3A_802 = arith.constant 0 : index
    %get3A_803 = vector.load %arg2[%get3A_801, %get3A_802] : memref<3072x128xf32, #tpu.memory_space<vmem>>, vector<48x128xf32>
    %dot_general3A_804 = arith.constant dense<0.000000e+00> : vector<144x128xf32>
    %dot_general3A_805 = tpu.matmul %get3A_16, %get3A_803, %dot_general3A_804 {dimension_numbers = #tpu.dot_dimension_numbers<[1], [0], [0], [1], [0, 0, 1, 1], [], []>, transpose_lhs_hint = false} : vector<144x48xf32>, vector<48x128xf32>, vector<144x128xf32> -> vector<144x128xf32>
    %slice3A_806 = vector.extract_strided_slice %transpose3A {offsets = [0, 49], sizes = [144, 1], strides = [1, 1]} : vector<144x64xf32> to vector<144x1xf32>
    %mul3A_807 = vector.broadcast %slice3A_806 : vector<144x1xf32> to vector<144x128xf32>
    %mul3A_808 = arith.mulf %mul3A_807, %dot_general3A_5 : vector<144x128xf32>
    %add3A_809 = arith.addf %dot_general3A_805, %mul3A_808 : vector<144x128xf32>
    %add3A_810 = arith.addf %add3A_809, %add3A : vector<144x128xf32>
    %swap3A_811 = arith.constant 49 : index
    %swap3A_812 = arith.constant 0 : index
    %swap3A_813 = arith.constant 0 : index
    %swap3A_814 = vector.load %arg8[%swap3A_811, %swap3A_812, %swap3A_813] : memref<64x144x128xf32, #tpu.memory_space<vmem>>, vector<1x144x128xf32>
    %swap3A_815 = vector.shape_cast %swap3A_814 : vector<1x144x128xf32> to vector<144x128xf32>
    %swap3A_816 = vector.shape_cast %add3A_810 : vector<144x128xf32> to vector<1x144x128xf32>
    tpu.vector_store %arg8[%swap3A_811, %swap3A_812, %swap3A_813], %swap3A_816 {strides = array<i32>} : memref<64x144x128xf32, #tpu.memory_space<vmem>>, vector<1x144x128xf32>,
    %get3A_817 = arith.constant 2400 : index
    %get3A_818 = arith.constant 0 : index
    %get3A_819 = vector.load %arg2[%get3A_817, %get3A_818] : memref<3072x128xf32, #tpu.memory_space<vmem>>, vector<48x128xf32>
    %dot_general3A_820 = arith.constant dense<0.000000e+00> : vector<144x128xf32>
    %dot_general3A_821 = tpu.matmul %get3A_16, %get3A_819, %dot_general3A_820 {dimension_numbers = #tpu.dot_dimension_numbers<[1], [0], [0], [1], [0, 0, 1, 1], [], []>, transpose_lhs_hint = false} : vector<144x48xf32>, vector<48x128xf32>, vector<144x128xf32> -> vector<144x128xf32>
    %slice3A_822 = vector.extract_strided_slice %transpose3A {offsets = [0, 50], sizes = [144, 1], strides = [1, 1]} : vector<144x64xf32> to vector<144x1xf32>
    %mul3A_823 = vector.broadcast %slice3A_822 : vector<144x1xf32> to vector<144x128xf32>
    %mul3A_824 = arith.mulf %mul3A_823, %dot_general3A_5 : vector<144x128xf32>
    %add3A_825 = arith.addf %dot_general3A_821, %mul3A_824 : vector<144x128xf32>
    %add3A_826 = arith.addf %add3A_825, %add3A : vector<144x128xf32>
    %swap3A_827 = arith.constant 50 : index
    %swap3A_828 = arith.constant 0 : index
    %swap3A_829 = arith.constant 0 : index
    %swap3A_830 = vector.load %arg8[%swap3A_827, %swap3A_828, %swap3A_829] : memref<64x144x128xf32, #tpu.memory_space<vmem>>, vector<1x144x128xf32>
    %swap3A_831 = vector.shape_cast %swap3A_830 : vector<1x144x128xf32> to vector<144x128xf32>
    %swap3A_832 = vector.shape_cast %add3A_826 : vector<144x128xf32> to vector<1x144x128xf32>
    tpu.vector_store %arg8[%swap3A_827, %swap3A_828, %swap3A_829], %swap3A_832 {strides = array<i32>} : memref<64x144x128xf32, #tpu.memory_space<vmem>>, vector<1x144x128xf32>,
    %get3A_833 = arith.constant 2448 : index
    %get3A_834 = arith.constant 0 : index
    %get3A_835 = vector.load %arg2[%get3A_833, %get3A_834] : memref<3072x128xf32, #tpu.memory_space<vmem>>, vector<48x128xf32>
    %dot_general3A_836 = arith.constant dense<0.000000e+00> : vector<144x128xf32>
    %dot_general3A_837 = tpu.matmul %get3A_16, %get3A_835, %dot_general3A_836 {dimension_numbers = #tpu.dot_dimension_numbers<[1], [0], [0], [1], [0, 0, 1, 1], [], []>, transpose_lhs_hint = false} : vector<144x48xf32>, vector<48x128xf32>, vector<144x128xf32> -> vector<144x128xf32>
    %slice3A_838 = vector.extract_strided_slice %transpose3A {offsets = [0, 51], sizes = [144, 1], strides = [1, 1]} : vector<144x64xf32> to vector<144x1xf32>
    %mul3A_839 = vector.broadcast %slice3A_838 : vector<144x1xf32> to vector<144x128xf32>
    %mul3A_840 = arith.mulf %mul3A_839, %dot_general3A_5 : vector<144x128xf32>
    %add3A_841 = arith.addf %dot_general3A_837, %mul3A_840 : vector<144x128xf32>
    %add3A_842 = arith.addf %add3A_841, %add3A : vector<144x128xf32>
    %swap3A_843 = arith.constant 51 : index
    %swap3A_844 = arith.constant 0 : index
    %swap3A_845 = arith.constant 0 : index
    %swap3A_846 = vector.load %arg8[%swap3A_843, %swap3A_844, %swap3A_845] : memref<64x144x128xf32, #tpu.memory_space<vmem>>, vector<1x144x128xf32>
    %swap3A_847 = vector.shape_cast %swap3A_846 : vector<1x144x128xf32> to vector<144x128xf32>
    %swap3A_848 = vector.shape_cast %add3A_842 : vector<144x128xf32> to vector<1x144x128xf32>
    tpu.vector_store %arg8[%swap3A_843, %swap3A_844, %swap3A_845], %swap3A_848 {strides = array<i32>} : memref<64x144x128xf32, #tpu.memory_space<vmem>>, vector<1x144x128xf32>,
    %get3A_849 = arith.constant 2496 : index
    %get3A_850 = arith.constant 0 : index
    %get3A_851 = vector.load %arg2[%get3A_849, %get3A_850] : memref<3072x128xf32, #tpu.memory_space<vmem>>, vector<48x128xf32>
    %dot_general3A_852 = arith.constant dense<0.000000e+00> : vector<144x128xf32>
    %dot_general3A_853 = tpu.matmul %get3A_16, %get3A_851, %dot_general3A_852 {dimension_numbers = #tpu.dot_dimension_numbers<[1], [0], [0], [1], [0, 0, 1, 1], [], []>, transpose_lhs_hint = false} : vector<144x48xf32>, vector<48x128xf32>, vector<144x128xf32> -> vector<144x128xf32>
    %slice3A_854 = vector.extract_strided_slice %transpose3A {offsets = [0, 52], sizes = [144, 1], strides = [1, 1]} : vector<144x64xf32> to vector<144x1xf32>
    %mul3A_855 = vector.broadcast %slice3A_854 : vector<144x1xf32> to vector<144x128xf32>
    %mul3A_856 = arith.mulf %mul3A_855, %dot_general3A_5 : vector<144x128xf32>
    %add3A_857 = arith.addf %dot_general3A_853, %mul3A_856 : vector<144x128xf32>
    %add3A_858 = arith.addf %add3A_857, %add3A : vector<144x128xf32>
    %swap3A_859 = arith.constant 52 : index
    %swap3A_860 = arith.constant 0 : index
    %swap3A_861 = arith.constant 0 : index
    %swap3A_862 = vector.load %arg8[%swap3A_859, %swap3A_860, %swap3A_861] : memref<64x144x128xf32, #tpu.memory_space<vmem>>, vector<1x144x128xf32>
    %swap3A_863 = vector.shape_cast %swap3A_862 : vector<1x144x128xf32> to vector<144x128xf32>
    %swap3A_864 = vector.shape_cast %add3A_858 : vector<144x128xf32> to vector<1x144x128xf32>
    tpu.vector_store %arg8[%swap3A_859, %swap3A_860, %swap3A_861], %swap3A_864 {strides = array<i32>} : memref<64x144x128xf32, #tpu.memory_space<vmem>>, vector<1x144x128xf32>,
    %get3A_865 = arith.constant 2544 : index
    %get3A_866 = arith.constant 0 : index
    %get3A_867 = vector.load %arg2[%get3A_865, %get3A_866] : memref<3072x128xf32, #tpu.memory_space<vmem>>, vector<48x128xf32>
    %dot_general3A_868 = arith.constant dense<0.000000e+00> : vector<144x128xf32>
    %dot_general3A_869 = tpu.matmul %get3A_16, %get3A_867, %dot_general3A_868 {dimension_numbers = #tpu.dot_dimension_numbers<[1], [0], [0], [1], [0, 0, 1, 1], [], []>, transpose_lhs_hint = false} : vector<144x48xf32>, vector<48x128xf32>, vector<144x128xf32> -> vector<144x128xf32>
    %slice3A_870 = vector.extract_strided_slice %transpose3A {offsets = [0, 53], sizes = [144, 1], strides = [1, 1]} : vector<144x64xf32> to vector<144x1xf32>
    %mul3A_871 = vector.broadcast %slice3A_870 : vector<144x1xf32> to vector<144x128xf32>
    %mul3A_872 = arith.mulf %mul3A_871, %dot_general3A_5 : vector<144x128xf32>
    %add3A_873 = arith.addf %dot_general3A_869, %mul3A_872 : vector<144x128xf32>
    %add3A_874 = arith.addf %add3A_873, %add3A : vector<144x128xf32>
    %swap3A_875 = arith.constant 53 : index
    %swap3A_876 = arith.constant 0 : index
    %swap3A_877 = arith.constant 0 : index
    %swap3A_878 = vector.load %arg8[%swap3A_875, %swap3A_876, %swap3A_877] : memref<64x144x128xf32, #tpu.memory_space<vmem>>, vector<1x144x128xf32>
    %swap3A_879 = vector.shape_cast %swap3A_878 : vector<1x144x128xf32> to vector<144x128xf32>
    %swap3A_880 = vector.shape_cast %add3A_874 : vector<144x128xf32> to vector<1x144x128xf32>
    tpu.vector_store %arg8[%swap3A_875, %swap3A_876, %swap3A_877], %swap3A_880 {strides = array<i32>} : memref<64x144x128xf32, #tpu.memory_space<vmem>>, vector<1x144x128xf32>,
    %get3A_881 = arith.constant 2592 : index
    %get3A_882 = arith.constant 0 : index
    %get3A_883 = vector.load %arg2[%get3A_881, %get3A_882] : memref<3072x128xf32, #tpu.memory_space<vmem>>, vector<48x128xf32>
    %dot_general3A_884 = arith.constant dense<0.000000e+00> : vector<144x128xf32>
    %dot_general3A_885 = tpu.matmul %get3A_16, %get3A_883, %dot_general3A_884 {dimension_numbers = #tpu.dot_dimension_numbers<[1], [0], [0], [1], [0, 0, 1, 1], [], []>, transpose_lhs_hint = false} : vector<144x48xf32>, vector<48x128xf32>, vector<144x128xf32> -> vector<144x128xf32>
    %slice3A_886 = vector.extract_strided_slice %transpose3A {offsets = [0, 54], sizes = [144, 1], strides = [1, 1]} : vector<144x64xf32> to vector<144x1xf32>
    %mul3A_887 = vector.broadcast %slice3A_886 : vector<144x1xf32> to vector<144x128xf32>
    %mul3A_888 = arith.mulf %mul3A_887, %dot_general3A_5 : vector<144x128xf32>
    %add3A_889 = arith.addf %dot_general3A_885, %mul3A_888 : vector<144x128xf32>
    %add3A_890 = arith.addf %add3A_889, %add3A : vector<144x128xf32>
    %swap3A_891 = arith.constant 54 : index
    %swap3A_892 = arith.constant 0 : index
    %swap3A_893 = arith.constant 0 : index
    %swap3A_894 = vector.load %arg8[%swap3A_891, %swap3A_892, %swap3A_893] : memref<64x144x128xf32, #tpu.memory_space<vmem>>, vector<1x144x128xf32>
    %swap3A_895 = vector.shape_cast %swap3A_894 : vector<1x144x128xf32> to vector<144x128xf32>
    %swap3A_896 = vector.shape_cast %add3A_890 : vector<144x128xf32> to vector<1x144x128xf32>
    tpu.vector_store %arg8[%swap3A_891, %swap3A_892, %swap3A_893], %swap3A_896 {strides = array<i32>} : memref<64x144x128xf32, #tpu.memory_space<vmem>>, vector<1x144x128xf32>,
    %get3A_897 = arith.constant 2640 : index
    %get3A_898 = arith.constant 0 : index
    %get3A_899 = vector.load %arg2[%get3A_897, %get3A_898] : memref<3072x128xf32, #tpu.memory_space<vmem>>, vector<48x128xf32>
    %dot_general3A_900 = arith.constant dense<0.000000e+00> : vector<144x128xf32>
    %dot_general3A_901 = tpu.matmul %get3A_16, %get3A_899, %dot_general3A_900 {dimension_numbers = #tpu.dot_dimension_numbers<[1], [0], [0], [1], [0, 0, 1, 1], [], []>, transpose_lhs_hint = false} : vector<144x48xf32>, vector<48x128xf32>, vector<144x128xf32> -> vector<144x128xf32>
    %slice3A_902 = vector.extract_strided_slice %transpose3A {offsets = [0, 55], sizes = [144, 1], strides = [1, 1]} : vector<144x64xf32> to vector<144x1xf32>
    %mul3A_903 = vector.broadcast %slice3A_902 : vector<144x1xf32> to vector<144x128xf32>
    %mul3A_904 = arith.mulf %mul3A_903, %dot_general3A_5 : vector<144x128xf32>
    %add3A_905 = arith.addf %dot_general3A_901, %mul3A_904 : vector<144x128xf32>
    %add3A_906 = arith.addf %add3A_905, %add3A : vector<144x128xf32>
    %swap3A_907 = arith.constant 55 : index
    %swap3A_908 = arith.constant 0 : index
    %swap3A_909 = arith.constant 0 : index
    %swap3A_910 = vector.load %arg8[%swap3A_907, %swap3A_908, %swap3A_909] : memref<64x144x128xf32, #tpu.memory_space<vmem>>, vector<1x144x128xf32>
    %swap3A_911 = vector.shape_cast %swap3A_910 : vector<1x144x128xf32> to vector<144x128xf32>
    %swap3A_912 = vector.shape_cast %add3A_906 : vector<144x128xf32> to vector<1x144x128xf32>
    tpu.vector_store %arg8[%swap3A_907, %swap3A_908, %swap3A_909], %swap3A_912 {strides = array<i32>} : memref<64x144x128xf32, #tpu.memory_space<vmem>>, vector<1x144x128xf32>,
    %get3A_913 = arith.constant 2688 : index
    %get3A_914 = arith.constant 0 : index
    %get3A_915 = vector.load %arg2[%get3A_913, %get3A_914] : memref<3072x128xf32, #tpu.memory_space<vmem>>, vector<48x128xf32>
    %dot_general3A_916 = arith.constant dense<0.000000e+00> : vector<144x128xf32>
    %dot_general3A_917 = tpu.matmul %get3A_16, %get3A_915, %dot_general3A_916 {dimension_numbers = #tpu.dot_dimension_numbers<[1], [0], [0], [1], [0, 0, 1, 1], [], []>, transpose_lhs_hint = false} : vector<144x48xf32>, vector<48x128xf32>, vector<144x128xf32> -> vector<144x128xf32>
    %slice3A_918 = vector.extract_strided_slice %transpose3A {offsets = [0, 56], sizes = [144, 1], strides = [1, 1]} : vector<144x64xf32> to vector<144x1xf32>
    %mul3A_919 = vector.broadcast %slice3A_918 : vector<144x1xf32> to vector<144x128xf32>
    %mul3A_920 = arith.mulf %mul3A_919, %dot_general3A_5 : vector<144x128xf32>
    %add3A_921 = arith.addf %dot_general3A_917, %mul3A_920 : vector<144x128xf32>
    %add3A_922 = arith.addf %add3A_921, %add3A : vector<144x128xf32>
    %swap3A_923 = arith.constant 56 : index
    %swap3A_924 = arith.constant 0 : index
    %swap3A_925 = arith.constant 0 : index
    %swap3A_926 = vector.load %arg8[%swap3A_923, %swap3A_924, %swap3A_925] : memref<64x144x128xf32, #tpu.memory_space<vmem>>, vector<1x144x128xf32>
    %swap3A_927 = vector.shape_cast %swap3A_926 : vector<1x144x128xf32> to vector<144x128xf32>
    %swap3A_928 = vector.shape_cast %add3A_922 : vector<144x128xf32> to vector<1x144x128xf32>
    tpu.vector_store %arg8[%swap3A_923, %swap3A_924, %swap3A_925], %swap3A_928 {strides = array<i32>} : memref<64x144x128xf32, #tpu.memory_space<vmem>>, vector<1x144x128xf32>,
    %get3A_929 = arith.constant 2736 : index
    %get3A_930 = arith.constant 0 : index
    %get3A_931 = vector.load %arg2[%get3A_929, %get3A_930] : memref<3072x128xf32, #tpu.memory_space<vmem>>, vector<48x128xf32>
    %dot_general3A_932 = arith.constant dense<0.000000e+00> : vector<144x128xf32>
    %dot_general3A_933 = tpu.matmul %get3A_16, %get3A_931, %dot_general3A_932 {dimension_numbers = #tpu.dot_dimension_numbers<[1], [0], [0], [1], [0, 0, 1, 1], [], []>, transpose_lhs_hint = false} : vector<144x48xf32>, vector<48x128xf32>, vector<144x128xf32> -> vector<144x128xf32>
    %slice3A_934 = vector.extract_strided_slice %transpose3A {offsets = [0, 57], sizes = [144, 1], strides = [1, 1]} : vector<144x64xf32> to vector<144x1xf32>
    %mul3A_935 = vector.broadcast %slice3A_934 : vector<144x1xf32> to vector<144x128xf32>
    %mul3A_936 = arith.mulf %mul3A_935, %dot_general3A_5 : vector<144x128xf32>
    %add3A_937 = arith.addf %dot_general3A_933, %mul3A_936 : vector<144x128xf32>
    %add3A_938 = arith.addf %add3A_937, %add3A : vector<144x128xf32>
    %swap3A_939 = arith.constant 57 : index
    %swap3A_940 = arith.constant 0 : index
    %swap3A_941 = arith.constant 0 : index
    %swap3A_942 = vector.load %arg8[%swap3A_939, %swap3A_940, %swap3A_941] : memref<64x144x128xf32, #tpu.memory_space<vmem>>, vector<1x144x128xf32>
    %swap3A_943 = vector.shape_cast %swap3A_942 : vector<1x144x128xf32> to vector<144x128xf32>
    %swap3A_944 = vector.shape_cast %add3A_938 : vector<144x128xf32> to vector<1x144x128xf32>
    tpu.vector_store %arg8[%swap3A_939, %swap3A_940, %swap3A_941], %swap3A_944 {strides = array<i32>} : memref<64x144x128xf32, #tpu.memory_space<vmem>>, vector<1x144x128xf32>,
    %get3A_945 = arith.constant 2784 : index
    %get3A_946 = arith.constant 0 : index
    %get3A_947 = vector.load %arg2[%get3A_945, %get3A_946] : memref<3072x128xf32, #tpu.memory_space<vmem>>, vector<48x128xf32>
    %dot_general3A_948 = arith.constant dense<0.000000e+00> : vector<144x128xf32>
    %dot_general3A_949 = tpu.matmul %get3A_16, %get3A_947, %dot_general3A_948 {dimension_numbers = #tpu.dot_dimension_numbers<[1], [0], [0], [1], [0, 0, 1, 1], [], []>, transpose_lhs_hint = false} : vector<144x48xf32>, vector<48x128xf32>, vector<144x128xf32> -> vector<144x128xf32>
    %slice3A_950 = vector.extract_strided_slice %transpose3A {offsets = [0, 58], sizes = [144, 1], strides = [1, 1]} : vector<144x64xf32> to vector<144x1xf32>
    %mul3A_951 = vector.broadcast %slice3A_950 : vector<144x1xf32> to vector<144x128xf32>
    %mul3A_952 = arith.mulf %mul3A_951, %dot_general3A_5 : vector<144x128xf32>
    %add3A_953 = arith.addf %dot_general3A_949, %mul3A_952 : vector<144x128xf32>
    %add3A_954 = arith.addf %add3A_953, %add3A : vector<144x128xf32>
    %swap3A_955 = arith.constant 58 : index
    %swap3A_956 = arith.constant 0 : index
    %swap3A_957 = arith.constant 0 : index
    %swap3A_958 = vector.load %arg8[%swap3A_955, %swap3A_956, %swap3A_957] : memref<64x144x128xf32, #tpu.memory_space<vmem>>, vector<1x144x128xf32>
    %swap3A_959 = vector.shape_cast %swap3A_958 : vector<1x144x128xf32> to vector<144x128xf32>
    %swap3A_960 = vector.shape_cast %add3A_954 : vector<144x128xf32> to vector<1x144x128xf32>
    tpu.vector_store %arg8[%swap3A_955, %swap3A_956, %swap3A_957], %swap3A_960 {strides = array<i32>} : memref<64x144x128xf32, #tpu.memory_space<vmem>>, vector<1x144x128xf32>,
    %get3A_961 = arith.constant 2832 : index
    %get3A_962 = arith.constant 0 : index
    %get3A_963 = vector.load %arg2[%get3A_961, %get3A_962] : memref<3072x128xf32, #tpu.memory_space<vmem>>, vector<48x128xf32>
    %dot_general3A_964 = arith.constant dense<0.000000e+00> : vector<144x128xf32>
    %dot_general3A_965 = tpu.matmul %get3A_16, %get3A_963, %dot_general3A_964 {dimension_numbers = #tpu.dot_dimension_numbers<[1], [0], [0], [1], [0, 0, 1, 1], [], []>, transpose_lhs_hint = false} : vector<144x48xf32>, vector<48x128xf32>, vector<144x128xf32> -> vector<144x128xf32>
    %slice3A_966 = vector.extract_strided_slice %transpose3A {offsets = [0, 59], sizes = [144, 1], strides = [1, 1]} : vector<144x64xf32> to vector<144x1xf32>
    %mul3A_967 = vector.broadcast %slice3A_966 : vector<144x1xf32> to vector<144x128xf32>
    %mul3A_968 = arith.mulf %mul3A_967, %dot_general3A_5 : vector<144x128xf32>
    %add3A_969 = arith.addf %dot_general3A_965, %mul3A_968 : vector<144x128xf32>
    %add3A_970 = arith.addf %add3A_969, %add3A : vector<144x128xf32>
    %swap3A_971 = arith.constant 59 : index
    %swap3A_972 = arith.constant 0 : index
    %swap3A_973 = arith.constant 0 : index
    %swap3A_974 = vector.load %arg8[%swap3A_971, %swap3A_972, %swap3A_973] : memref<64x144x128xf32, #tpu.memory_space<vmem>>, vector<1x144x128xf32>
    %swap3A_975 = vector.shape_cast %swap3A_974 : vector<1x144x128xf32> to vector<144x128xf32>
    %swap3A_976 = vector.shape_cast %add3A_970 : vector<144x128xf32> to vector<1x144x128xf32>
    tpu.vector_store %arg8[%swap3A_971, %swap3A_972, %swap3A_973], %swap3A_976 {strides = array<i32>} : memref<64x144x128xf32, #tpu.memory_space<vmem>>, vector<1x144x128xf32>,
    %get3A_977 = arith.constant 2880 : index
    %get3A_978 = arith.constant 0 : index
    %get3A_979 = vector.load %arg2[%get3A_977, %get3A_978] : memref<3072x128xf32, #tpu.memory_space<vmem>>, vector<48x128xf32>
    %dot_general3A_980 = arith.constant dense<0.000000e+00> : vector<144x128xf32>
    %dot_general3A_981 = tpu.matmul %get3A_16, %get3A_979, %dot_general3A_980 {dimension_numbers = #tpu.dot_dimension_numbers<[1], [0], [0], [1], [0, 0, 1, 1], [], []>, transpose_lhs_hint = false} : vector<144x48xf32>, vector<48x128xf32>, vector<144x128xf32> -> vector<144x128xf32>
    %slice3A_982 = vector.extract_strided_slice %transpose3A {offsets = [0, 60], sizes = [144, 1], strides = [1, 1]} : vector<144x64xf32> to vector<144x1xf32>
    %mul3A_983 = vector.broadcast %slice3A_982 : vector<144x1xf32> to vector<144x128xf32>
    %mul3A_984 = arith.mulf %mul3A_983, %dot_general3A_5 : vector<144x128xf32>
    %add3A_985 = arith.addf %dot_general3A_981, %mul3A_984 : vector<144x128xf32>
    %add3A_986 = arith.addf %add3A_985, %add3A : vector<144x128xf32>
    %swap3A_987 = arith.constant 60 : index
    %swap3A_988 = arith.constant 0 : index
    %swap3A_989 = arith.constant 0 : index
    %swap3A_990 = vector.load %arg8[%swap3A_987, %swap3A_988, %swap3A_989] : memref<64x144x128xf32, #tpu.memory_space<vmem>>, vector<1x144x128xf32>
    %swap3A_991 = vector.shape_cast %swap3A_990 : vector<1x144x128xf32> to vector<144x128xf32>
    %swap3A_992 = vector.shape_cast %add3A_986 : vector<144x128xf32> to vector<1x144x128xf32>
    tpu.vector_store %arg8[%swap3A_987, %swap3A_988, %swap3A_989], %swap3A_992 {strides = array<i32>} : memref<64x144x128xf32, #tpu.memory_space<vmem>>, vector<1x144x128xf32>,
    %get3A_993 = arith.constant 2928 : index
    %get3A_994 = arith.constant 0 : index
    %get3A_995 = vector.load %arg2[%get3A_993, %get3A_994] : memref<3072x128xf32, #tpu.memory_space<vmem>>, vector<48x128xf32>
    %dot_general3A_996 = arith.constant dense<0.000000e+00> : vector<144x128xf32>
    %dot_general3A_997 = tpu.matmul %get3A_16, %get3A_995, %dot_general3A_996 {dimension_numbers = #tpu.dot_dimension_numbers<[1], [0], [0], [1], [0, 0, 1, 1], [], []>, transpose_lhs_hint = false} : vector<144x48xf32>, vector<48x128xf32>, vector<144x128xf32> -> vector<144x128xf32>
    %slice3A_998 = vector.extract_strided_slice %transpose3A {offsets = [0, 61], sizes = [144, 1], strides = [1, 1]} : vector<144x64xf32> to vector<144x1xf32>
    %mul3A_999 = vector.broadcast %slice3A_998 : vector<144x1xf32> to vector<144x128xf32>
    %mul3A_1000 = arith.mulf %mul3A_999, %dot_general3A_5 : vector<144x128xf32>
    %add3A_1001 = arith.addf %dot_general3A_997, %mul3A_1000 : vector<144x128xf32>
    %add3A_1002 = arith.addf %add3A_1001, %add3A : vector<144x128xf32>
    %swap3A_1003 = arith.constant 61 : index
    %swap3A_1004 = arith.constant 0 : index
    %swap3A_1005 = arith.constant 0 : index
    %swap3A_1006 = vector.load %arg8[%swap3A_1003, %swap3A_1004, %swap3A_1005] : memref<64x144x128xf32, #tpu.memory_space<vmem>>, vector<1x144x128xf32>
    %swap3A_1007 = vector.shape_cast %swap3A_1006 : vector<1x144x128xf32> to vector<144x128xf32>
    %swap3A_1008 = vector.shape_cast %add3A_1002 : vector<144x128xf32> to vector<1x144x128xf32>
    tpu.vector_store %arg8[%swap3A_1003, %swap3A_1004, %swap3A_1005], %swap3A_1008 {strides = array<i32>} : memref<64x144x128xf32, #tpu.memory_space<vmem>>, vector<1x144x128xf32>,
    %get3A_1009 = arith.constant 2976 : index
    %get3A_1010 = arith.constant 0 : index
    %get3A_1011 = vector.load %arg2[%get3A_1009, %get3A_1010] : memref<3072x128xf32, #tpu.memory_space<vmem>>, vector<48x128xf32>
    %dot_general3A_1012 = arith.constant dense<0.000000e+00> : vector<144x128xf32>
    %dot_general3A_1013 = tpu.matmul %get3A_16, %get3A_1011, %dot_general3A_1012 {dimension_numbers = #tpu.dot_dimension_numbers<[1], [0], [0], [1], [0, 0, 1, 1], [], []>, transpose_lhs_hint = false} : vector<144x48xf32>, vector<48x128xf32>, vector<144x128xf32> -> vector<144x128xf32>
    %slice3A_1014 = vector.extract_strided_slice %transpose3A {offsets = [0, 62], sizes = [144, 1], strides = [1, 1]} : vector<144x64xf32> to vector<144x1xf32>
    %mul3A_1015 = vector.broadcast %slice3A_1014 : vector<144x1xf32> to vector<144x128xf32>
    %mul3A_1016 = arith.mulf %mul3A_1015, %dot_general3A_5 : vector<144x128xf32>
    %add3A_1017 = arith.addf %dot_general3A_1013, %mul3A_1016 : vector<144x128xf32>
    %add3A_1018 = arith.addf %add3A_1017, %add3A : vector<144x128xf32>
    %swap3A_1019 = arith.constant 62 : index
    %swap3A_1020 = arith.constant 0 : index
    %swap3A_1021 = arith.constant 0 : index
    %swap3A_1022 = vector.load %arg8[%swap3A_1019, %swap3A_1020, %swap3A_1021] : memref<64x144x128xf32, #tpu.memory_space<vmem>>, vector<1x144x128xf32>
    %swap3A_1023 = vector.shape_cast %swap3A_1022 : vector<1x144x128xf32> to vector<144x128xf32>
    %swap3A_1024 = vector.shape_cast %add3A_1018 : vector<144x128xf32> to vector<1x144x128xf32>
    tpu.vector_store %arg8[%swap3A_1019, %swap3A_1020, %swap3A_1021], %swap3A_1024 {strides = array<i32>} : memref<64x144x128xf32, #tpu.memory_space<vmem>>, vector<1x144x128xf32>,
    %get3A_1025 = arith.constant 3024 : index
    %get3A_1026 = arith.constant 0 : index
    %get3A_1027 = vector.load %arg2[%get3A_1025, %get3A_1026] : memref<3072x128xf32, #tpu.memory_space<vmem>>, vector<48x128xf32>
    %dot_general3A_1028 = arith.constant dense<0.000000e+00> : vector<144x128xf32>
    %dot_general3A_1029 = tpu.matmul %get3A_16, %get3A_1027, %dot_general3A_1028 {dimension_numbers = #tpu.dot_dimension_numbers<[1], [0], [0], [1], [0, 0, 1, 1], [], []>, transpose_lhs_hint = false} : vector<144x48xf32>, vector<48x128xf32>, vector<144x128xf32> -> vector<144x128xf32>
    %slice3A_1030 = vector.extract_strided_slice %transpose3A {offsets = [0, 63], sizes = [144, 1], strides = [1, 1]} : vector<144x64xf32> to vector<144x1xf32>
    %mul3A_1031 = vector.broadcast %slice3A_1030 : vector<144x1xf32> to vector<144x128xf32>
    %mul3A_1032 = arith.mulf %mul3A_1031, %dot_general3A_5 : vector<144x128xf32>
    %add3A_1033 = arith.addf %dot_general3A_1029, %mul3A_1032 : vector<144x128xf32>
    %add3A_1034 = arith.addf %add3A_1033, %add3A : vector<144x128xf32>
    %swap3A_1035 = arith.constant 63 : index
    %swap3A_1036 = arith.constant 0 : index
    %swap3A_1037 = arith.constant 0 : index
    %swap3A_1038 = vector.load %arg8[%swap3A_1035, %swap3A_1036, %swap3A_1037] : memref<64x144x128xf32, #tpu.memory_space<vmem>>, vector<1x144x128xf32>
    %swap3A_1039 = vector.shape_cast %swap3A_1038 : vector<1x144x128xf32> to vector<144x128xf32>
    %swap3A_1040 = vector.shape_cast %add3A_1034 : vector<144x128xf32> to vector<1x144x128xf32>
    tpu.vector_store %arg8[%swap3A_1035, %swap3A_1036, %swap3A_1037], %swap3A_1040 {strides = array<i32>} : memref<64x144x128xf32, #tpu.memory_space<vmem>>, vector<1x144x128xf32>,
    return
  }
  func.func @transform_0(%arg0: i32) -> (i32, i32) {
    %c0_i32 = arith.constant 0 : i32
    %c0_i32_0 = arith.constant 0 : i32
    return %arg0, %c0_i32 : i32, i32
  }
  func.func @transform_1(%arg0: i32) -> (i32, i32) {
    %c0_i32 = arith.constant 0 : i32
    %c0_i32_0 = arith.constant 0 : i32
    return %arg0, %c0_i32 : i32, i32
  }
  func.func @transform_2(%arg0: i32) -> (i32, i32) {
    %c0_i32 = arith.constant 0 : i32
    %c0_i32_0 = arith.constant 0 : i32
    %c0_i32_1 = arith.constant 0 : i32
    return %c0_i32, %c0_i32_0 : i32, i32
  }
  func.func @transform_3(%arg0: i32) -> (i32, i32) {
    %c0_i32 = arith.constant 0 : i32
    %c0_i32_0 = arith.constant 0 : i32
    %c0_i32_1 = arith.constant 0 : i32
    return %c0_i32, %c0_i32_0 : i32, i32
  }
  func.func @transform_4(%arg0: i32) -> (i32, i32) {
    %c0_i32 = arith.constant 0 : i32
    %c0_i32_0 = arith.constant 0 : i32
    %c0_i32_1 = arith.constant 0 : i32
    return %c0_i32, %c0_i32_0 : i32, i32
  }
  func.func @transform_5(%arg0: i32) -> (i32, i32) {
    %c0_i32 = arith.constant 0 : i32
    %c0_i32_0 = arith.constant 0 : i32
    %c0_i32_1 = arith.constant 0 : i32
    return %c0_i32, %c0_i32_0 : i32, i32
  }
  func.func @transform_6(%arg0: i32) -> (i32, i32) {
    %c0_i32 = arith.constant 0 : i32
    %c0_i32_0 = arith.constant 0 : i32
    %c0_i32_1 = arith.constant 0 : i32
    return %c0_i32, %c0_i32_0 : i32, i32
  }
  func.func @transform_7(%arg0: i32) -> (i32, i32, i32) {
    %c0_i32 = arith.constant 0 : i32
    %c0_i32_0 = arith.constant 0 : i32
    %c0_i32_1 = arith.constant 0 : i32
    return %arg0, %c0_i32, %c0_i32_0 : i32, i32, i32
  }
}

</mosaic_0001>

<sc_bundles>
// kernel: kernel.4.cloned.1.call-start
scs
__scs_entry_jumppad:
0x0: {  	(pc) =	sbr.rel $0x88, $3  }
0x1: {  	(tag) =	ssettag $0x0;
	lr =	simm.s32 $0x1  }
0x2: {  	[smem:$0x3F9D] =	sst lr;
	_ =	strace $0xD0000000  }
0x3: {  	_ = 	snop  }
0x4: {  	_ = 	snop  }
0x5: {  	_ = 	snop  }
0x6: {  	_ = 	snop  }
0x7: {  	_ = 	snop  }
__scs_overlays_trampoline_lowered:
0x8: {  	[smem:$0x3FAC] =	sst s0  }
0x9: {  	[smem:$0x3FAD] =	sst s1  }
0xa: {  	[smem:$0x3FAE] =	sst s2  }
0xb: {  	[smem:$0x3FAF] =	sst s3  }
0xc: {  	[smem:$0x3FB0] =	sst s4  }
0xd: {  	[smem:$0x3FB1] =	sst s5  }
0xe: {  	[smem:$0x3FB2] =	sst s6  }
0xf: {  	[smem:$0x3FB3] =	sst s7  }
0x10: {  	[smem:$0x3FB4] =	sst s8  }
0x11: {  	[smem:$0x3FB5] =	sst s9;
	s0 =	simm.s32 @!p0 $0x0  }
0x12: {  	s1 =	sld [smem:$0x3F9B];
	s0 =	simm.s32 @p0 $0x1  }
0x13: {  	[smem:$0x3FB6] =	sst s0;
	s0 =	simm.s32 @!p1 $0x0  }
0x14: {  	s2 =	sld [smem:$0x3F9A];
	s0 =	simm.s32 @p1 $0x1  }
0x15: {  	[smem:$0x3FB7] =	sst s0;
	s0 =	simm.s32 @!p2 $0x0  }
0x16: {  	s3 =	sld [smem:$0x3FDB];
	s0 =	simm.s32 @p2 $0x1  }
0x17: {  	s4 =	simm.s32 $0x1BF5;
	[smem:$0x3FB9] =	sst s0  }
0x18: {  	s0 =	sld [smem:$0x3F9C];
	_ =	swait.ge [sflag:s4], $0x0  }
0x19: {  	s7 =	sld [smem:$0x3F9D]  }
0x1a: {  	s8 =	sadd.s32 $0xFFFFE003, lr  }
0x1b: {  	s9 =	sadd.s32 $0xFFFFFEF7, lr;
	s5 =	simm.s32 $0xFFFFFFFF;
	p2 =	slt.u32 s8, $0xFFFFF086  }
0x1c: {  	p1 =	slt.u32 s9, $0xF7A;
	s5 =	simm.s32 @!p2 $0x0  }
0x1d: {  	s5 =	simm.s32 @p1 $0x1;
	p0 =	seq.s32 s7, s2  }
0x1e: {  	s7 =	smul.u32 @!p0 $0xF7A, s2;
	p2 =	seq.s32 @!p0 s5, $0x0  }
0x1f: {  	s9 =	smul.u32 $0xF7A, s1;
	s8 =	simm.s32 @!p0 $0x1BF5;
	p2 =	por !p2, p0  }
0x20: {  	[sflag:s8] =	ssyncset.s32 @!p0 $0xFFFFF086;
	s6 =	sadd.s32 @!p0 s3, s7;
	s7 =	simm.s32 @!p0 $0x108  }
0x21: {  	s3 =	sadd.s32 s3, s9;
	s6 =	sadd.s32 @!p0 $0x88, s6;
	s7 =	simm.s32 @p2 $0x1082  }
0x22: {  	[simem:s7], [sflag:s8] =	dma.local @!p0 [hbm:s6], $0xF7A  }
0x23: {  	s9 =	sor.u32 $0xD0000000, s2;
	s6 =	simm.s32 $0x108;
	_ =	swait.ge @!p0 [sflag:s8], $0x0  }
0x24: {  	s3 =	sadd.s32 $0x88, s3;
	s6 =	simm.s32 @!p1 $0x1082;
	[sflag:s4] =	ssyncset.s32 $0xFFFFF086  }
0x25: {  	[simem:s6], [sflag:s4] =	dma.local [hbm:s3], $0xF7A  }
0x26: {  	[smem:$0x3F9D] =	sst s1;
	(tag) =	ssettag s2;
	_ =	strace s9  }
0x27: {  	s1 =	sld [smem:$0x3FAD]  }
0x28: {  	s2 =	sld [smem:$0x3FAE]  }
0x29: {  	s4 =	sld [smem:$0x3FB0]  }
0x2a: {  	p0 =	seq.s32 s5, $0x0;
	s5 =	sld [smem:$0x3FB1]  }
0x2b: {  	s6 =	sld [smem:$0x3FB2]  }
0x2c: {  	s7 =	sld [smem:$0x3FB3]  }
0x2d: {  	s3 =	simm.s32 $0x108;
	s8 =	sld [smem:$0x3FB4]  }
0x2e: {  	s3 =	simm.s32 @!p0 $0x1082;
	s9 =	sld [smem:$0x3FB5]  }
0x2f: {  	lr =	sadd.s32 s0, s3;
	s0 =	sld [smem:$0x3FAC]  }
0x30: {  	s3 =	sld [smem:$0x3FAF]  }
0x31: {  	[smem:$0x3FB8] =	sst s10  }
0x32: {  	s10 =	sld [smem:$0x3FB6];
	_ =	sdelay $0x3  }
0x33: {  	p0 =	seq.s32 s10, $0x1;
	s10 =	sld [smem:$0x3FB8];
	_ =	sdelay $0x3  }
0x34: {  	[smem:$0x3FB8] =	sst s10  }
0x35: {  	s10 =	sld [smem:$0x3FB7];
	_ =	sdelay $0x3  }
0x36: {  	p1 =	seq.s32 s10, $0x1;
	s10 =	sld [smem:$0x3FB8];
	_ =	sdelay $0x3  }
0x37: {  	[smem:$0x3FB8] =	sst s10  }
0x38: {  	s10 =	sld [smem:$0x3FB9]  }
0x39: {  	_ = 	snop;
	(pc) =	sbr.ind lr, $3  }
0x3a: {  	_ = 	snop  }
0x3b: {  	_ = 	snop  }
0x3c: {  	p2 =	seq.s32 s10, $0x1;
	s10 =	sld [smem:$0x3FB8]  }
0x3d: {  	_ =	shalt  }
0x3e: {  	_ =	shalt  }
0x3f: {  	_ =	shalt  }
0x40: {  	_ =	shalt  }
0x41: {  	_ =	shalt  }
0x42: {  	_ =	shalt  }
0x43: {  	_ =	shalt  }
0x44: {  	_ =	shalt  }
0x45: {  	_ =	shalt  }
0x46: {  	_ =	shalt  }
0x47: {  	_ =	shalt  }
0x48: {  	_ =	shalt  }
0x49: {  	_ =	shalt  }
0x4a: {  	_ =	shalt  }
0x4b: {  	_ =	shalt  }
0x4c: {  	_ =	shalt  }
0x4d: {  	_ =	shalt  }
0x4e: {  	_ =	shalt  }
0x4f: {  	_ =	shalt  }
0x50: {  	_ =	shalt  }
0x51: {  	_ =	shalt  }
0x52: {  	_ =	shalt  }
0x53: {  	_ =	shalt  }
0x54: {  	_ =	shalt  }
0x55: {  	_ =	shalt  }
0x56: {  	_ =	shalt  }
0x57: {  	_ =	shalt  }
0x58: {  	_ =	shalt  }
0x59: {  	_ =	shalt  }
0x5a: {  	_ =	shalt  }
0x5b: {  	_ =	shalt  }
0x5c: {  	_ =	shalt  }
0x5d: {  	_ =	shalt  }
0x5e: {  	_ =	shalt  }
0x5f: {  	_ =	shalt  }
0x60: {  	_ =	shalt  }
0x61: {  	_ =	shalt  }
0x62: {  	_ =	shalt  }
0x63: {  	_ =	shalt  }
0x64: {  	_ =	shalt  }
0x65: {  	_ =	shalt  }
0x66: {  	_ =	shalt  }
0x67: {  	_ =	shalt  }
0x68: {  	_ =	shalt  }
0x69: {  	_ =	shalt  }
0x6a: {  	_ =	shalt  }
0x6b: {  	_ =	shalt  }
0x6c: {  	_ =	shalt  }
0x6d: {  	_ =	shalt  }
0x6e: {  	_ =	shalt  }
0x6f: {  	_ =	shalt  }
0x70: {  	_ =	shalt  }
0x71: {  	_ =	shalt  }
0x72: {  	_ =	shalt  }
0x73: {  	_ =	shalt  }
0x74: {  	_ =	shalt  }
0x75: {  	_ =	shalt  }
0x76: {  	_ =	shalt  }
0x77: {  	_ =	shalt  }
0x78: {  	_ =	shalt  }
0x79: {  	_ =	shalt  }
0x7a: {  	_ =	shalt  }
0x7b: {  	_ =	shalt  }
0x7c: {  	_ =	shalt  }
0x7d: {  	_ =	shalt  }
0x7e: {  	_ =	shalt  }
0x7f: {  	_ =	shalt  }
0x80: {  	_ =	shalt  }
0x81: {  	_ =	shalt  }
0x82: {  	_ =	shalt  }
0x83: {  	_ =	shalt  }
0x84: {  	_ =	shalt  }
0x85: {  	_ =	shalt  }
0x86: {  	_ =	shalt  }
0x87: {  	_ =	shalt  }
.Lfunc_end0:
.L_simem_size_0:
called_computation_lowered:
.L_overlay_start_0:
0x88: {  	s2 =	sld [smem:$0x3FD9]  }
0x89: {  	s3 =	sld [smem:$0x3FFE];
	_ =	sdelay $0x1  }
0x8a: {  	s1 =	srdreg.scid  }
0x8b: {  	s0 =	sand.u32 $0x1, s1  }
0x8c: {  	s17 =	sshll.u32 s0, $0xA;
	s2 =	sadd.s32 s3, s2  }
0x8d: {  	s2 =	sadd.s32 s2, s17  }
0x8e: {  	[smem:$0x3FC4] =	sst s2  }
0x8f: {  	_ = 	snop  }
0x90: {  	s2 =	sld [smem:$0x3FC6]  }
0x91: {  	s18 =	sld [smem:$0x3FD0];
	(tm) =	ssettm $0x1  }
0x92: {  	s4 =	sld [smem:$0x3FFB];
	_ =	sdelay $0x3  }
0x93: {  	_ =	strace s4  }
0x94: {  	s4 =	sld [smem:$0x3FFC];
	_ =	sdelay $0x3  }
0x95: {  	_ =	strace s4  }
0x96: {  	s4 =	sld [smem:$0x3FFD];
	_ =	sdelay $0x3  }
0x97: {  	_ =	strace s4  }
0x98: {  	_ =	strace $0x8FFFFFFF  }
0x99: {  	s19 =	sld [smem:$0x3FDB];
	_ =	sdelay $0x1  }
0x9a: {  	s5 =	simm.s32 $_scs_section_size  }
0x9b: {  	s6 =	simm.s32 $_size__tile_overlayer_lowered;
	s7 =	simm.s32 $_tile_overlayer_lowered  }
0x9c: {  	s22 =	simm.s32 $0x1BFF;
	s21 =	sshll.u32 s7, $0x1;
	s4 =	sadd.s32 s5, s19  }
0x9d: {  	s8 =	simm.s32 $0x0;
	s20 =	sshll.u32 s6, $0x1;
	s6 =	sadd.s32 s21, s4  }
0x9e: {  	[timem:s8], [sflag:s22] =	dma.local [hbm:s6], s20  }
0x9f: {  	_ =	swait.ge [sflag:s22], s20  }
0xa0: {  	s5 =	ssub.s32 $0x0, s20;
	[sflag:s22] =	ssyncset.done $0x0  }
0xa1: {  	[sflag:s22] =	ssyncadd.s32 s5;
	_ =	sdelay $0x1  }
0xa2: {  	s23 =	simm.s32 $0x1B8B  }
0xa3: {  	_ =	swait.ge [sflag:s23], $0x1  }
0xa4: {  	[sflag:s23] =	ssyncset.done $0x0  }
0xa5: {  	s25 =	simm.s32 $0x1B8E;
	s24 =	sld [smem:$0x3FFE];
	[sflag:s23] =	ssyncadd.s32 $0xFFFFFFFF  }
0xa6: {  	s26 =	simm.s32 $execute0_lowered;
	[smem:$0x3FD2] =	sst s25  }
0xa7: {  	s6 =	sshll.u32 s26, $0x1;
	_ =	strace $0x80000046;
	[dreg:$0x1] =	wrdreg $0xFFFFFFFF  }
0xa8: {  	s28 =	simm.s32 $_size_execute0_lowered;
	s4 =	sadd.s32 s4, s6;
	[dreg:$0x0] =	wrdreg $0x0  }
0xa9: {  	s6 =	sshll.u32 s28, $0x1;
	[dreg:$0x2] =	wrdreg s4  }
0xaa: {  	[dreg:$0x3] =	wrdreg s6  }
0xab: {  	[dreg:$0x4] =	wrdreg $0xC0  }
0xac: {  	_ =	task [dreg:s8], $0x5FFFF  }
0xad: {  	[dreg:$0x1] =	wrdreg $0xFFFFFFFF  }
0xae: {  	[dreg:$0x0] =	wrdreg $0x60  }
0xaf: {  	[dreg:$0x2] =	wrdreg s24  }
0xb0: {  	[dreg:$0x3] =	wrdreg s2  }
0xb1: {  	[dreg:$0x4] =	wrdreg s18  }
0xb2: {  	[dreg:$0x5] =	wrdreg $0x9  }
0xb3: {  	_ =	task.clear_ibuf [dreg:s8], $0x6FFFF;
	_ =	strace $0x90000046  }
0xb4: {  	s29 =	simm.s32 $0x9;
	_ =	strace $0x80000048  }
0xb5: {  	_ =	swait.ge [sflag:s29], $0x1  }
0xb6: {  	[sflag:s29] =	ssyncadd.s32 $0xFFFFFFFF  }
0xb7: {  	_ =	strace $0x90000048  }
0xb8: {  	_ =	sfence  }
0xb9: {  	s30 =	sld [smem:$0x0];
	_ =	sdelay $0x2  }
0xba: {  	s31 =	sshll.u32 s1, $0xD;
	s1 =	sshrl.u32 s1, $0x2  }
0xbb: {  	s3 =	sand.u32 $0x4000, s31;
	s1 =	sadd.s32 s1, s30  }
0xbc: {  	s0 =	sor.u32 s3, s0;
	s1 =	sshll.u32 s1, $0x11  }
0xbd: {  	s0 =	sor.u32 s1, s0  }
0xbe: {  	s0 =	sadd.s32 $0x8F2B, s0  }
0xbf: {  	[sflag:s0] =	ssyncadd.remote.s32 $0x1  }
0xc0: {  	_ =	sfence.sel $0xFFFF  }
0xc1: {  	[dreg:$0x0] =	wrdreg $0xFFFFFFFF;
	(pc) =	sbr.abs _section_cstart, $3  }
0xc2: {  	[dreg:$0x1] =	wrdreg $0xFFFFFFFF  }
0xc3: {  	_ =	task.clear_ibuf [dreg:s8], $0x2FFFF;
	_ =	strace $0x9FFFFFFF  }
0xc4: {  	(tm) =	ssettm $0x7FFFFFFF  }
0xc5: {  	_ =	shalt  }
tec
execute0_lowered:
.L_overlay_start_1:
0x0: {  	(tag) =	ssettag $0x1  }
0x1: {  	s1 =	srdreg.scid;
	s0 =	stileid.u32  }
0x2: {  	s4 =	rddreg [dreg:$0x0];
	s17 =	sand.u32 $0x1, s1;
	s31 =	sshll.u32 s0, $0x1  }
0x3: {  	s2 =	rddreg [dreg:$0x1];
	s13 =	sor.u32 s17, s31  }
0x4: {  	s14 =	rddreg [dreg:$0x2];
	s5 =	smul.u32 $0x30, s13  }
0x5: {  	s3 =	simm.s32 $0x0;
	s1 =	rddreg [dreg:$0x3]  }
0x6: {  	[smem:$0x7FF] =	sst s3;
	s4 =	sadd.s32 s5, s4  }
0x7: {  	_ =	strace $0x80000047;
	s5 =	simm.s32 $0x4;
	s4 =	sadd.s32 $0x1400, s4  }
0x8: {  	[tilespmem:s3], [sflag:$0x4] =	stream.linear.gather [hbm4b:s4+s3], $0x180, $0x38;
	[tilespmem:$0xC180] =	vst v63  }
0x9: {  	_ =	swait.ge [sflag:s5], $0x180  }
0xa: {  	[sflag:s5] =	ssyncset.done $0x0  }
0xb: {  	s6 =	simm.s32 $0x80;
	s7 =	simm.s32 $0x180;
	[sflag:s5] =	ssyncadd.s32 $0xFFFFFE80  }
0xc: {  	[tilespmem:s7], [sflag:$0x1] =	stream.indirect.gather [hbm4b:s2+s6], $0x80, s3, s6, $0xb8;
	[tilespmem:$0xC180] =	vst v63  }
0xd: {  	s8 =	simm.s32 $0x4180  }
0xe: {  	[tilespmem:s8], [sflag:$0x2] =	stream.indirect.gather [hbm4b:s2+s6], $0x80, s6, s6, $0xb8;
	[tilespmem:$0xC180] =	vst v63  }
0xf: {  	s9 =	simm.s32 $0x100;
	s10 =	simm.s32 $0x8180;
	s11 =	simm.s32 $0x1  }
0x10: {  	[tilespmem:s10], [sflag:$0x3] =	stream.indirect.gather [hbm4b:s2+s6], $0x80, s9, s6, $0xb8;
	[tilespmem:$0xC180] =	vst v63  }
0x11: {  	s12 =	smul.u32 $0x1800, s13;
	_ =	swait.ge [sflag:s11], $0x4000  }
0x12: {  	s15 =	smul.u32 $0xC000, s13;
	[sflag:s11] =	ssyncset.done $0x0  }
0x13: {  	s13 =	simm.s32 $0x2;
	s12 =	sadd.s32 s14, s12;
	[sflag:s11] =	ssyncadd.s32 $0xFFFFC000  }
0x14: {  	[hbm4b:s12+s3] =	stream.linear.scatter [tilespmem:s7], [sflag:$0x1], $0x4000, $0x38;
	[tilespmem:$0xC180] =	vst v63  }
0x15: {  	s15 =	sshrl.u32 s15, $0x3;
	_ =	swait.ge [sflag:s13], $0x4000  }
0x16: {  	s16 =	sadd.s32 s14, s15;
	[sflag:s13] =	ssyncset.done $0x0  }
0x17: {  	s14 =	simm.s32 $0x3;
	s15 =	sadd.s32 $0x800, s16;
	[sflag:s13] =	ssyncadd.s32 $0xFFFFC000  }
0x18: {  	[hbm4b:s15+s3] =	stream.linear.scatter [tilespmem:s8], [sflag:$0x2], $0x4000, $0x38;
	[tilespmem:$0xC180] =	vst v63  }
0x19: {  	_ =	swait.ge [sflag:s14], $0x4000  }
0x1a: {  	s17 =	ssub.s32 $0x2, s17;
	[sflag:s14] =	ssyncset.done $0x0  }
0x1b: {  	s18 =	sshrl.u32 s17, $0x1;
	s16 =	sadd.s32 $0x1000, s16;
	[sflag:s14] =	ssyncadd.s32 $0xFFFFC000  }
0x1c: {  	[hbm4b:s16+s3] =	stream.linear.scatter [tilespmem:s10], [sflag:$0x3], $0x4000, $0x38;
	[tilespmem:$0xC180] =	vst v63  }
0x1d: {  	s17 =	ssub.s32 s17, s18;
	_ =	swait.ge [sflag:s11], $0x4000  }
0x1e: {  	s17 =	smax.u32 s17, $0x1;
	[sflag:s11] =	ssyncset.done $0x0  }
0x1f: {  	p0 =	sne.s32 s17, $0x1;
	[sflag:s11] =	ssyncadd.s32 $0xFFFFC000  }
.Ltmp0:
0x20: {  	_ =	swait.ge [sflag:s13], $0x4000;
	(pc) =	sbr.rel @!p0 .LBB2_2-.Ltmp0, $4  }
0x21: {  	[sflag:s13] =	ssyncset.done $0x0  }
0x22: {  	[sflag:s13] =	ssyncadd.s32 $0xFFFFC000  }
0x23: {  	_ =	swait.ge [sflag:s14], $0x4000  }
0x24: {  	s17 =	sadd.s32 $0xFFFFFFFF, s17;
	[sflag:s14] =	ssyncset.done $0x0  }
.LBB2_1:
0x25: {  	p0 =	sne.s32 s17, $0x1;
	s17 =	sadd.s32 $0xFFFFFFFF, s17;
	[sflag:s14] =	ssyncadd.s32 $0xFFFFC000  }
0x26: {  	[tilespmem:s3], [sflag:$0x4] =	stream.linear.gather [hbm4b:s4+s3], $0x180, $0x38;
	[tilespmem:$0xC180] =	vst v63  }
0x27: {  	_ =	swait.ge [sflag:s5], $0x180  }
0x28: {  	[sflag:s5] =	ssyncset.done $0x0  }
0x29: {  	[sflag:s5] =	ssyncadd.s32 $0xFFFFFE80  }
0x2a: {  	[tilespmem:s7], [sflag:$0x1] =	stream.indirect.gather [hbm4b:s2+s6], $0x80, s3, s6, $0xb8;
	[tilespmem:$0xC180] =	vst v63  }
0x2b: {  	_ = 	snop  }
0x2c: {  	[tilespmem:s8], [sflag:$0x2] =	stream.indirect.gather [hbm4b:s2+s6], $0x80, s6, s6, $0xb8;
	[tilespmem:$0xC180] =	vst v63  }
0x2d: {  	_ = 	snop  }
0x2e: {  	[tilespmem:s10], [sflag:$0x3] =	stream.indirect.gather [hbm4b:s2+s6], $0x80, s9, s6, $0xb8;
	[tilespmem:$0xC180] =	vst v63  }
0x2f: {  	_ =	swait.ge [sflag:s11], $0x4000  }
0x30: {  	[sflag:s11] =	ssyncset.done $0x0  }
0x31: {  	[sflag:s11] =	ssyncadd.s32 $0xFFFFC000  }
0x32: {  	[hbm4b:s12+s3] =	stream.linear.scatter [tilespmem:s7], [sflag:$0x1], $0x4000, $0x38;
	[tilespmem:$0xC180] =	vst v63  }
0x33: {  	_ =	swait.ge [sflag:s13], $0x4000  }
0x34: {  	[sflag:s13] =	ssyncset.done $0x0  }
0x35: {  	[sflag:s13] =	ssyncadd.s32 $0xFFFFC000  }
0x36: {  	[hbm4b:s15+s3] =	stream.linear.scatter [tilespmem:s8], [sflag:$0x2], $0x4000, $0x38;
	[tilespmem:$0xC180] =	vst v63  }
0x37: {  	_ =	swait.ge [sflag:s14], $0x4000  }
0x38: {  	[sflag:s14] =	ssyncset.done $0x0  }
0x39: {  	[sflag:s14] =	ssyncadd.s32 $0xFFFFC000  }
0x3a: {  	[hbm4b:s16+s3] =	stream.linear.scatter [tilespmem:s10], [sflag:$0x3], $0x4000, $0x38;
	[tilespmem:$0xC180] =	vst v63  }
0x3b: {  	_ =	swait.ge [sflag:s11], $0x4000  }
0x3c: {  	[sflag:s11] =	ssyncset.done $0x0  }
0x3d: {  	[sflag:s11] =	ssyncadd.s32 $0xFFFFC000  }
.Ltmp1:
0x3e: {  	_ =	swait.ge [sflag:s13], $0x4000;
	(pc) =	sbr.rel @p0 .LBB2_1-.Ltmp1, $4  }
0x3f: {  	[sflag:s13] =	ssyncset.done $0x0  }
0x40: {  	[sflag:s13] =	ssyncadd.s32 $0xFFFFC000  }
0x41: {  	_ =	swait.ge [sflag:s14], $0x4000  }
0x42: {  	[sflag:s14] =	ssyncset.done $0x0  }
.LBB2_2:
0x43: {  	[sflag:s14] =	ssyncadd.s32 $0xFFFFC000  }
0x44: {  	_ =	sfence.sel $0x180000  }
0x45: {  	[bflag:$0x0] =	sbarrier.arrive $0xFFFF  }
0x46: {  	p0 =	sne.s32 s0, $0x0;
	_ =	strace $0x90000047  }
0x47: {  	s0 =	sadd.s32 @!p0 $0x100000, s1;
	[bflag:$0x2] =	sbarrier.arrive $0xFFFF  }
0x48: {  	[sflag:s0] =	ssyncadd.tile.s32 @!p0 $0x1;
	_ =	shalt  }
.Lfunc_end2:
_tile_overlayer_lowered:
.L_overlay_start_2:
0x49: {  	(tag) =	ssettag $0x2  }
0x4a: {  	s0 =	rddreg [dreg:$0x0];
	s2 =	stileid.u32  }
0x4b: {  	s1 =	rddreg [dreg:$0x1];
	p0 =	sne.s32 s2, $0x0  }
0x4c: {  	s3 =	rddreg [dreg:$0x2];
	[bflag:$0x3] =	sbarrier.arrive $0xFFFF;
	s2 =	simm.s32 @!p0 $0x1C04  }
0x4d: {  	[timem:s3], [sflag:s2] =	dma.local @!p0 [hbm:s0], s1  }
0x4e: {  	s0 =	simm.s32 @!p0 $0x4  }
0x4f: {  	_ =	swait.ge @!p0 [sflag:s0], s1  }
0x50: {  	s1 =	ssub.s32 @!p0 $0x0, s1;
	[sflag:s0] =	ssyncset.done @!p0 $0x0  }
0x51: {  	[sflag:s0] =	ssyncadd.s32 @!p0 s1  }
0x52: {  	[bflag:$0x3] =	sbarrier.arrive $0xFFFF  }
0x53: {  	_ =	shalt  }

</sc_bundles>
